<compile_context>
chip_gen: v7x
topology: tpu7x:2x2x1
jax: 0.10.2.dev20260603
libtpu: 0.0.44.dev20260713+nightly
codegen_flags: <defaults>
</compile_context>

<pallas_src>
import functools

import jax
import jax.numpy as jnp
from jax import lax
from jax.experimental import pallas as pl
from jax.experimental.pallas import tpu as pltpu
from jax.experimental.pallas import tpu_sc as plsc

_PATCH = 14.0
_THR2 = 100.00001
_NPAD = 1024
_BI = 128
_NF = 5


def _rne_bf16(x):
    u = jax.lax.bitcast_convert_type(x, jnp.int32)
    tie = jax.lax.shift_right_logical(u, 16) & 1
    u = u + jnp.int32(0x7FFF) + tie
    u = jnp.bitwise_and(u, jnp.int32(~0xFFFF))
    return jax.lax.bitcast_convert_type(u, jnp.float32)


def _score_body(n_actual, rows_ref, cols_ref, meta_ref, mask_ref):
    f32 = jnp.float32
    r = rows_ref[0]
    px = r[0:1, :]
    py = r[1:2, :]
    qx = r[2:3, :]
    qy = r[3:4, :]
    w = r[4:5, :]
    psx = _rne_bf16(px * _PATCH)
    psy = _rne_bf16(py * _PATCH)
    qsx = qx * _PATCH
    qsy = qy * _PATCH
    jlane = jax.lax.broadcasted_iota(jnp.int32, (1, _NPAD), 1)
    wrow = jnp.where(jlane < n_actual, w, 0.0)

    cc = cols_ref[0]
    pxt = cc[:, 0:1]
    pyt = cc[:, 1:2]
    qxt = cc[:, 2:3]
    qyt = cc[:, 3:4]
    wt = cc[:, 4:5]
    st = cc[:, 5:6]
    ct = cc[:, 6:7]
    snt = cc[:, 7:8]
    psxt = _rne_bf16(pxt * _PATCH)
    psyt = _rne_bf16(pyt * _PATCH)
    a_c = st * ct
    b_c = st * snt
    a16 = _rne_bf16(a_c)
    b16 = _rne_bf16(b_c)
    tx_c = qxt * _PATCH - (a16 * psxt - b16 * psyt)
    ty_c = qyt * _PATCH - (b16 * psxt + a16 * psyt)
    icol = jax.lax.broadcasted_iota(jnp.int32, (_NPAD, 1), 0)

    nblk = _NPAD // _BI
    score_cols = []
    for ib in range(nblk):
        sl = slice(ib * _BI, (ib + 1) * _BI)
        ac = a16[sl]
        bc = b16[sl]
        txc = tx_c[sl]
        tyc = ty_c[sl]
        predx = ac * psx - bc * psy + txc
        predy = bc * psx + ac * psy + tyc
        ex = qsx - predx
        ey = qsy - predy
        e2 = ex * ex + ey * ey
        contrib = jnp.where(e2 <= _THR2, wrow, 0.0)
        srow = jnp.sum(contrib, axis=1, keepdims=True) - wt[sl]
        srow = jnp.where(icol[sl] < n_actual, srow, -1.0)
        score_cols.append(srow)
    score = jnp.concatenate(score_cols, axis=1)

    best_score = jnp.max(score)
    rix = jax.lax.broadcasted_iota(jnp.int32, (_BI, nblk), 0)
    cix = jax.lax.broadcasted_iota(jnp.int32, (_BI, nblk), 1)
    iidx = cix * _BI + rix
    best_i = jnp.min(jnp.where(score == best_score, iidx, jnp.int32(1 << 30)))

    sel = icol == best_i
    a_b = jnp.sum(jnp.where(sel, a_c, 0.0))
    b_b = jnp.sum(jnp.where(sel, b_c, 0.0))
    a16_b = jnp.sum(jnp.where(sel, a16, 0.0))
    b16_b = jnp.sum(jnp.where(sel, b16, 0.0))
    tx_b = jnp.sum(jnp.where(sel, tx_c, 0.0))
    ty_b = jnp.sum(jnp.where(sel, ty_c, 0.0))

    predxb = a16_b * psx - b16_b * psy + tx_b
    predyb = b16_b * psx + a16_b * psy + ty_b
    exb = qsx - predxb
    eyb = qsy - predyb
    e2b = exb * exb + eyb * eyb
    mask = (e2b <= _THR2) & (jlane < n_actual) & (jlane != best_i)
    mask_ref[0] = mask.astype(jnp.int32)

    r8 = jax.lax.broadcasted_iota(jnp.int32, (8, 128), 0)
    c1 = jax.lax.broadcasted_iota(jnp.int32, (8, 128), 1)
    mv = jnp.where((r8 == 2) & (c1 == 2), 1.0, 0.0)
    mv = jnp.where((r8 == 0) & (c1 == 0), a_b, mv)
    mv = jnp.where((r8 == 0) & (c1 == 1), -b_b, mv)
    mv = jnp.where((r8 == 0) & (c1 == 2), tx_b, mv)
    mv = jnp.where((r8 == 0) & (c1 == 3), best_score, mv)
    mv = jnp.where((r8 == 1) & (c1 == 0), b_b, mv)
    mv = jnp.where((r8 == 1) & (c1 == 1), a_b, mv)
    mv = jnp.where((r8 == 1) & (c1 == 2), ty_b, mv)
    meta_ref[0] = mv


def _compact_body(nb, rows_hbm, mask_hbm, out_hbm,
                  mask_v, feat_v, idx_v, out_v):
    c = lax.axis_index("c")
    s = lax.axis_index("s")
    wid = s * 2 + c

    @pl.when(wid < nb)
    def _():
        b = wid
        pltpu.sync_copy(mask_hbm.at[pl.ds(b * _NPAD, _NPAD)], mask_v)
        pltpu.sync_copy(rows_hbm.at[pl.ds(b * 8 * _NPAD, _NF * _NPAD)], feat_v)

        nchunk = _NPAD // 16

        def pass1(k, carry):
            off = k * 16
            mv = mask_v[pl.ds(off, 16)]
            m = mv != 0
            mi = jnp.where(m, jnp.int32(1), jnp.int32(0))
            pos = plsc.cumsum(mi)
            jv = off + lax.iota(jnp.int32, 16)
            tgt = jnp.maximum(pos + carry - 1, 0)
            plsc.store_scatter(idx_v, [tgt], jv, mask=m)
            return carry + jnp.sum(mi)

        count = lax.fori_loop(0, nchunk, pass1, jnp.int32(0))

        def pass2(k, dummy):
            off = k * 16
            kv = off + lax.iota(jnp.int32, 16)
            valid = kv < count
            idxs = jnp.where(valid, idx_v[pl.ds(off, 16)], jnp.int32(0))
            for r in range(_NF):
                g = plsc.load_gather(feat_v, [idxs + r * _NPAD])
                fill = -1.0 if r < 4 else 0.0
                out_v[pl.ds(off + r * _NPAD, 16)] = jnp.where(valid, g, fill)
            return dummy

        lax.fori_loop(0, nchunk, pass2, jnp.int32(0))
        pltpu.sync_copy(out_v, out_hbm.at[pl.ds(b * _NF * _NPAD, _NF * _NPAD)])


def kernel(src_pts, tar_pts, relScales, relInplanes, scores):
    B, N = src_pts.shape[:2]
    f32 = jnp.float32
    pad = _NPAD - N

    feats = jnp.stack([src_pts[..., 0], src_pts[..., 1],
                       tar_pts[..., 0], tar_pts[..., 1],
                       scores, relScales,
                       relInplanes[..., 0], relInplanes[..., 1]], axis=1)
    rows = jnp.pad(feats, ((0, 0), (0, 0), (0, pad)))
    cols = jnp.swapaxes(rows, 1, 2)

    meta, mask = pl.pallas_call(
        functools.partial(_score_body, N),
        grid=(B,),
        in_specs=[pl.BlockSpec((1, 8, _NPAD), lambda b: (b, 0, 0)),
                  pl.BlockSpec((1, _NPAD, 8), lambda b: (b, 0, 0))],
        out_specs=[pl.BlockSpec((1, 8, 128), lambda b: (b, 0, 0)),
                   pl.BlockSpec((1, 1, _NPAD), lambda b: (b, 0, 0))],
        out_shape=[jax.ShapeDtypeStruct((B, 8, 128), f32),
                   jax.ShapeDtypeStruct((B, 1, _NPAD), jnp.int32)],
    )(rows, cols)

    mesh = plsc.VectorSubcoreMesh(core_axis_name="c", subcore_axis_name="s",
                                  num_cores=2)
    compact = pl.kernel(
        functools.partial(_compact_body, B),
        mesh=mesh,
        out_type=jax.ShapeDtypeStruct((B * _NF * _NPAD,), f32),
        scratch_types=[pltpu.VMEM((_NPAD,), jnp.int32),
                       pltpu.VMEM((_NF * _NPAD,), f32),
                       pltpu.VMEM((_NPAD,), jnp.int32),
                       pltpu.VMEM((_NF * _NPAD,), f32)],
        compiler_params=pltpu.CompilerParams(needs_layout_passes=False),
    )
    packed = compact(rows.reshape(B * 8 * _NPAD), mask.reshape(B * _NPAD))
    packed = packed.reshape(B, _NF, _NPAD)

    M = meta[:, :3, :3]
    failed = meta[:, 0, 3] == 0.0
    isrc = jnp.stack([packed[:, 0, :N], packed[:, 1, :N]], axis=-1)
    itar = jnp.stack([packed[:, 2, :N], packed[:, 3, :N]], axis=-1)
    iscr = packed[:, 4, :N]
    return M, failed, isrc, itar, iscr

# --- scband reference (transcript-rebuilt; emitter-appended) ---
"""Pipeline reference for scband-ransac-66675072303601 (READ-ONLY COPY).

The authoritative reference and input builder live on the scoring server;
editing this copy changes nothing except your own understanding.
"""

import jax, jax.numpy as jnp
import numpy as np

PIXEL_THRESHOLD = 10.0
PATCH_SIZE = 14


def setup_inputs(seed: int = 0) -> dict:
    key = jax.random.key(seed)
    ks = jax.random.split(key, 5)
    B, N = 16, 1000
    return {
        "src_pts": jax.random.normal(ks[0], (B, N, 2), dtype=jnp.float32),
        "tar_pts": jax.random.normal(ks[1], (B, N, 2), dtype=jnp.float32),
        "relScales": jax.random.uniform(ks[2], (B, N), dtype=jnp.float32),
        "relInplanes": jax.random.normal(ks[3], (B, N, 2), dtype=jnp.float32),
        "scores": jax.random.uniform(ks[4], (B, N), dtype=jnp.float32),
    }


def _ransac_single(src_kp, tar_kp, score, relScale, relInplane):
    # Equivalent of RANSAC.forward_ for one image pair. With random inputs the
    # 'any nonzero' mask is all-True, so the full static N is used.
    N = src_kp.shape[0]
    src = src_kp * PATCH_SIZE
    tar = tar_kp * PATCH_SIZE
    # _sample: selected_idx = arange(N); remaining_idx[i] = arange(N) without i
    sel = jnp.arange(N)
    j = jnp.arange(N - 1)
    rem = j[None, :] + (j[None, :] >= sel[:, None]).astype(jnp.int32)  # (N, N-1)
    train_src, val_src = src, src[rem]
    train_tar, val_tar = tar, tar[rem]
    val_score = score[rem]
    # relInplane is (N, 2): [cos, sin]
    cos_t = relInplane[:, 0]
    sin_t = relInplane[:, 1]
    R = jnp.stack([cos_t, -sin_t, sin_t, cos_t], axis=1).reshape(-1, 2, 2)
    # affine_torch(scale, rotation): 3x3 with top-left 2x2 = scale * R
    M = jnp.tile(jnp.eye(3, dtype=src.dtype), (N, 1, 1))
    M = M.at[:, :2, :2].set(relScale[:, None, None] * R)
    # apply_affine to the single training point per hypothesis (translation still 0)
    aff_train = jnp.einsum('nij,nj->ni', M[:, :2, :2], train_src) + M[:, :2, 2]
    trans = train_tar - aff_train
    M = M.at[:, :2, 2].set(trans)
    # apply_affine to all validation points: (N, N-1, 2)
    aff_val = jnp.einsum('nij,nkj->nki', M[:, :2, :2], val_src) + M[:, None, :2, 2]
    errors = jnp.linalg.norm(val_tar - aff_val, axis=2)
    inliers = errors <= PIXEL_THRESHOLD
    score_inliers = jnp.sum(inliers * val_score, axis=1)
    idx_best = jnp.argmax(score_inliers)
    best_score = score_inliers[idx_best]
    failed = best_score == 0
    inl_best = inliers[idx_best]
    # static-shape compaction of where(inliers)[0]: stable sort puts inlier
    # indices first in ascending order (same order as torch.where)
    perm = jnp.argsort((~inl_best).astype(jnp.int32), stable=True)
    count = jnp.sum(inl_best)
    idx_sorted = rem[idx_best][perm]
    valid = jnp.arange(N - 1) < count
    return M[idx_best], failed, idx_sorted, valid


def reference(src_pts, tar_pts, relScales, relInplanes, scores):
    B, N = src_pts.shape[:2]
    Ms = []
    failed_l = []
    isrc = []
    itar = []
    iscr = []
    for b in range(B):
        Mb, failed, idx_sorted, valid = _ransac_single(
            src_pts[b], tar_pts[b], scores[b], relScales[b], relInplanes[b])
        sp = jnp.full((N, 2), -1.0, src_pts.dtype).at[:N - 1].set(
            jnp.where(valid[:, None], src_pts[b][idx_sorted], -1.0))
        tp = jnp.full((N, 2), -1.0, src_pts.dtype).at[:N - 1].set(
            jnp.where(valid[:, None], tar_pts[b][idx_sorted], -1.0))
        sc = jnp.zeros((N,), src_pts.dtype).at[:N - 1].set(
            jnp.where(valid, scores[b][idx_sorted], 0.0))
        Ms.append(Mb)
        failed_l.append(failed)
        isrc.append(sp)
        itar.append(tp)
        iscr.append(sc)
    return (jnp.stack(Ms), jnp.stack(failed_l), jnp.stack(isrc),
            jnp.stack(itar), jnp.stack(iscr))

if __name__ == "__main__":
    import jax
    _d = setup_inputs()
    print(jax.jit(kernel)(*tuple(_d.values())))

</pallas_src>

<mosaic_0001>
#map = affine_map<(d0, d1) -> (0)>
module attributes {stable_mosaic.version = 14 : i64} {
  func.func @_compact_body(%arg0: i32, %arg1: i32, %arg2: memref<131072xf32, #tpu.memory_space<hbm>>, %arg3: memref<16384xi32, #tpu.memory_space<hbm>>, %arg4: memref<81920xf32, #tpu.memory_space<hbm>>, %arg5: memref<1024xi32, #tpu.memory_space<vmem>>, %arg6: memref<5120xf32, #tpu.memory_space<vmem>>, %arg7: memref<1024xi32, #tpu.memory_space<vmem>>, %arg8: memref<5120xf32, #tpu.memory_space<vmem>>) attributes {dimension_semantics = [#tpu.dimension_semantics<core_parallel>, #tpu.dimension_semantics<subcore_parallel>], iteration_bounds = array<i64: 2, 16>, scalar_prefetch = 0 : i64, scratch_operands = 4 : i64, tpu.core_type = #tpu.core_type<sc_vector_subcore>, window_params = [{transform_indices = #map}, {transform_indices = #map}, {transform_indices = #map}]} {
    %mul3A = arith.constant 2 : i32
    %mul3A_0 = arith.muli %arg1, %mul3A : i32
    %add3A = arith.addi %mul3A_0, %arg0 : i32
    %lt3A = arith.constant 16 : i32
    %lt3A_1 = arith.cmpi slt, %add3A, %lt3A : i32
    %convert_element_type3A = arith.extui %lt3A_1 : i1 to i32
    %cond3A = arith.constant 0 : i32
    %cond3A_2 = arith.cmpi ne, %convert_element_type3A, %cond3A : i32
    scf.if %cond3A_2 {
      %mul3A_3 = arith.constant 1024 : i32
      %mul3A_4 = arith.muli %add3A, %mul3A_3 : i32
      "tpu.region"() ({
        %run_scoped3A = tpu.sem_alloc : memref<!tpu.dma_semaphore, #tpu.memory_space<semaphore_mem>>
        %dma_start3A = tpu.memref_slice %arg3[%mul3A_4] : memref<16384xi32, #tpu.memory_space<hbm>> -> memref<1024xi32, #tpu.memory_space<hbm>>
        %dma_start3A_25 = tpu.memref_slice %arg3[%mul3A_4] : memref<16384xi32, #tpu.memory_space<hbm>> -> memref<1024xi32, #tpu.memory_space<hbm>>
        tpu.enqueue_dma source(%dma_start3A_25 : memref<1024xi32, #tpu.memory_space<hbm>>) target(%arg5 : memref<1024xi32, #tpu.memory_space<vmem>>) target_semaphore(%run_scoped3A : memref<!tpu.dma_semaphore, #tpu.memory_space<semaphore_mem>>)
        %dma_wait3A = tpu.memref_slice %arg3[%mul3A_4] : memref<16384xi32, #tpu.memory_space<hbm>> -> memref<1024xi32, #tpu.memory_space<hbm>>
        %dma_wait3A_26 = tpu.memref_slice %arg3[%mul3A_4] : memref<16384xi32, #tpu.memory_space<hbm>> -> memref<1024xi32, #tpu.memory_space<hbm>>
        tpu.wait_dma2 semaphore(%run_scoped3A : memref<!tpu.dma_semaphore, #tpu.memory_space<semaphore_mem>>) src(%dma_wait3A_26 : memref<1024xi32, #tpu.memory_space<hbm>>) dst(%arg5 : memref<1024xi32, #tpu.memory_space<vmem>>)
        tpu.yield
      }) : () -> ()
      %mul3A_5 = arith.constant 8 : i32
      %mul3A_6 = arith.muli %add3A, %mul3A_5 : i32
      %mul3A_7 = arith.constant 1024 : i32
      %mul3A_8 = arith.muli %mul3A_6, %mul3A_7 : i32
      "tpu.region"() ({
        %run_scoped3A = tpu.sem_alloc : memref<!tpu.dma_semaphore, #tpu.memory_space<semaphore_mem>>
        %dma_start3A = tpu.memref_slice %arg2[%mul3A_8] : memref<131072xf32, #tpu.memory_space<hbm>> -> memref<5120xf32, #tpu.memory_space<hbm>>
        %dma_start3A_25 = tpu.memref_slice %arg2[%mul3A_8] : memref<131072xf32, #tpu.memory_space<hbm>> -> memref<5120xf32, #tpu.memory_space<hbm>>
        tpu.enqueue_dma source(%dma_start3A_25 : memref<5120xf32, #tpu.memory_space<hbm>>) target(%arg6 : memref<5120xf32, #tpu.memory_space<vmem>>) target_semaphore(%run_scoped3A : memref<!tpu.dma_semaphore, #tpu.memory_space<semaphore_mem>>)
        %dma_wait3A = tpu.memref_slice %arg2[%mul3A_8] : memref<131072xf32, #tpu.memory_space<hbm>> -> memref<5120xf32, #tpu.memory_space<hbm>>
        %dma_wait3A_26 = tpu.memref_slice %arg2[%mul3A_8] : memref<131072xf32, #tpu.memory_space<hbm>> -> memref<5120xf32, #tpu.memory_space<hbm>>
        tpu.wait_dma2 semaphore(%run_scoped3A : memref<!tpu.dma_semaphore, #tpu.memory_space<semaphore_mem>>) src(%dma_wait3A_26 : memref<5120xf32, #tpu.memory_space<hbm>>) dst(%arg6 : memref<5120xf32, #tpu.memory_space<vmem>>)
        tpu.yield
      }) : () -> ()
      %scan3A = arith.constant 0 : i32
      %scan3A_9 = arith.constant 0 : i32
      %scan3A_10 = arith.constant 64 : i32
      %scan3A_11 = arith.addi %scan3A_9, %scan3A_10 : i32
      %scan3A_12 = arith.constant 1 : i32
      %scan3A_13 = scf.for %scan3A_25 = %scan3A_9 to %scan3A_11 step %scan3A_12 iter_args(%scan3A_26 = %scan3A) -> (i32)  : i32 {
        %mul3A_27 = arith.constant 16 : i32
        %mul3A_28 = arith.muli %scan3A_25, %mul3A_27 : i32
        %get3A = arith.index_cast %mul3A_28 : i32 to index
        %get3A_29 = tpu.vector_load %arg5[%get3A] {strides = array<i32>} : memref<1024xi32, #tpu.memory_space<vmem>>, vector<16xi32>,
        %ne3A = arith.constant 0 : i32
        %ne3A_30 = vector.broadcast %ne3A : i32 to vector<16xi32>
        %ne3A_31 = arith.cmpi ne, %get3A_29, %ne3A_30 : vector<16xi32>
        %jit3A = arith.constant 1 : i32
        %jit3A_32 = arith.constant 0 : i32
        %broadcast_in_dim3A = vector.broadcast %jit3A : i32 to vector<16xi32>
        %broadcast_in_dim3A_33 = vector.broadcast %jit3A_32 : i32 to vector<16xi32>
        %select_n3A = arith.select %ne3A_31, %broadcast_in_dim3A, %broadcast_in_dim3A_33 : vector<16xi1>, vector<16xi32>
        %broadcast_in_dim3A_34 = arith.constant true
        %broadcast_in_dim3A_35 = vector.broadcast %broadcast_in_dim3A_34 : i1 to vector<16xi1>
        %masked_cumsum3A = tpu.scan <sum>, %select_n3A masked %broadcast_in_dim3A_35 : vector<16xi32>, vector<16xi1> -> vector<16xi32>
        %iota3A = tpu.iota {dimensions = array<i32: 0>} : vector<16xi32>
        %add3A_36 = vector.broadcast %mul3A_28 : i32 to vector<16xi32>
        %add3A_37 = arith.addi %add3A_36, %iota3A : vector<16xi32>
        %add3A_38 = vector.broadcast %scan3A_26 : i32 to vector<16xi32>
        %add3A_39 = arith.addi %masked_cumsum3A, %add3A_38 : vector<16xi32>
        %sub3A = arith.constant 1 : i32
        %sub3A_40 = vector.broadcast %sub3A : i32 to vector<16xi32>
        %sub3A_41 = arith.subi %add3A_39, %sub3A_40 : vector<16xi32>
        %max3A = arith.constant 0 : i32
        %max3A_42 = vector.broadcast %max3A : i32 to vector<16xi32>
        %max3A_43 = arith.maxsi %sub3A_41, %max3A_42 : vector<16xi32>
        tpu.vector_store_idx %arg7[%max3A_43], %add3A_37 masked %ne3A_31 : memref<1024xi32, #tpu.memory_space<vmem>>[vector<16xi32>], vector<16xi32>, vector<16xi1>
        %reduce_sum3A = arith.constant true
        %reduce_sum3A_44 = vector.broadcast %reduce_sum3A : i1 to vector<16xi1>
        %reduce_sum3A_45 = tpu.scan <sum>, %select_n3A masked %reduce_sum3A_44 : vector<16xi32>, vector<16xi1> -> vector<16xi32>
        %reduce_sum3A_46 = vector.extract %reduce_sum3A_45[15] : i32 from vector<16xi32>
        %add3A_47 = arith.addi %scan3A_26, %reduce_sum3A_46 : i32
        scf.yield %add3A_47 : i32
      }
      %scan3A_14 = arith.constant 64 : i32
      %scan3A_15 = arith.constant 0 : i32
      %scan3A_16 = arith.constant 0 : i32
      %scan3A_17 = arith.constant 64 : i32
      %scan3A_18 = arith.addi %scan3A_16, %scan3A_17 : i32
      %scan3A_19 = arith.constant 1 : i32
      scf.for %scan3A_25 = %scan3A_16 to %scan3A_18 step %scan3A_19  : i32 {
        %mul3A_26 = arith.constant 16 : i32
        %mul3A_27 = arith.muli %scan3A_25, %mul3A_26 : i32
        %iota3A = tpu.iota {dimensions = array<i32: 0>} : vector<16xi32>
        %add3A_28 = vector.broadcast %mul3A_27 : i32 to vector<16xi32>
        %add3A_29 = arith.addi %add3A_28, %iota3A : vector<16xi32>
        %lt3A_30 = vector.broadcast %scan3A_13 : i32 to vector<16xi32>
        %lt3A_31 = arith.cmpi slt, %add3A_29, %lt3A_30 : vector<16xi32>
        %get3A = arith.index_cast %mul3A_27 : i32 to index
        %get3A_32 = tpu.vector_load %arg7[%get3A] {strides = array<i32>} : memref<1024xi32, #tpu.memory_space<vmem>>, vector<16xi32>,
        %jit3A = arith.constant 0 : i32
        %broadcast_in_dim3A = vector.broadcast %jit3A : i32 to vector<16xi32>
        %select_n3A = arith.select %lt3A_31, %get3A_32, %broadcast_in_dim3A : vector<16xi1>, vector<16xi32>
        %add3A_33 = arith.constant 0 : i32
        %add3A_34 = vector.broadcast %add3A_33 : i32 to vector<16xi32>
        %add3A_35 = arith.addi %select_n3A, %add3A_34 : vector<16xi32>
        %gather3A = tpu.vector_load_idx %arg6[%add3A_35] : memref<5120xf32, #tpu.memory_space<vmem>>[vector<16xi32>], vector<16xf32>,
        %jit3A_36 = arith.constant -1.000000e+00 : f32
        %broadcast_in_dim3A_37 = vector.broadcast %jit3A_36 : f32 to vector<16xf32>
        %select_n3A_38 = arith.select %lt3A_31, %gather3A, %broadcast_in_dim3A_37 : vector<16xi1>, vector<16xf32>
        %add3A_39 = arith.constant 0 : i32
        %add3A_40 = arith.addi %mul3A_27, %add3A_39 : i32
        %swap3A = arith.index_cast %add3A_40 : i32 to index
        %swap3A_41 = tpu.vector_load %arg8[%swap3A] {strides = array<i32>} : memref<5120xf32, #tpu.memory_space<vmem>>, vector<16xf32>,
        tpu.vector_store %arg8[%swap3A], %select_n3A_38 {strides = array<i32>} : memref<5120xf32, #tpu.memory_space<vmem>>, vector<16xf32>,
        %add3A_42 = arith.constant 1024 : i32
        %add3A_43 = vector.broadcast %add3A_42 : i32 to vector<16xi32>
        %add3A_44 = arith.addi %select_n3A, %add3A_43 : vector<16xi32>
        %gather3A_45 = tpu.vector_load_idx %arg6[%add3A_44] : memref<5120xf32, #tpu.memory_space<vmem>>[vector<16xi32>], vector<16xf32>,
        %jit3A_46 = arith.constant -1.000000e+00 : f32
        %broadcast_in_dim3A_47 = vector.broadcast %jit3A_46 : f32 to vector<16xf32>
        %select_n3A_48 = arith.select %lt3A_31, %gather3A_45, %broadcast_in_dim3A_47 : vector<16xi1>, vector<16xf32>
        %add3A_49 = arith.constant 1024 : i32
        %add3A_50 = arith.addi %mul3A_27, %add3A_49 : i32
        %swap3A_51 = arith.index_cast %add3A_50 : i32 to index
        %swap3A_52 = tpu.vector_load %arg8[%swap3A_51] {strides = array<i32>} : memref<5120xf32, #tpu.memory_space<vmem>>, vector<16xf32>,
        tpu.vector_store %arg8[%swap3A_51], %select_n3A_48 {strides = array<i32>} : memref<5120xf32, #tpu.memory_space<vmem>>, vector<16xf32>,
        %add3A_53 = arith.constant 2048 : i32
        %add3A_54 = vector.broadcast %add3A_53 : i32 to vector<16xi32>
        %add3A_55 = arith.addi %select_n3A, %add3A_54 : vector<16xi32>
        %gather3A_56 = tpu.vector_load_idx %arg6[%add3A_55] : memref<5120xf32, #tpu.memory_space<vmem>>[vector<16xi32>], vector<16xf32>,
        %jit3A_57 = arith.constant -1.000000e+00 : f32
        %broadcast_in_dim3A_58 = vector.broadcast %jit3A_57 : f32 to vector<16xf32>
        %select_n3A_59 = arith.select %lt3A_31, %gather3A_56, %broadcast_in_dim3A_58 : vector<16xi1>, vector<16xf32>
        %add3A_60 = arith.constant 2048 : i32
        %add3A_61 = arith.addi %mul3A_27, %add3A_60 : i32
        %swap3A_62 = arith.index_cast %add3A_61 : i32 to index
        %swap3A_63 = tpu.vector_load %arg8[%swap3A_62] {strides = array<i32>} : memref<5120xf32, #tpu.memory_space<vmem>>, vector<16xf32>,
        tpu.vector_store %arg8[%swap3A_62], %select_n3A_59 {strides = array<i32>} : memref<5120xf32, #tpu.memory_space<vmem>>, vector<16xf32>,
        %add3A_64 = arith.constant 3072 : i32
        %add3A_65 = vector.broadcast %add3A_64 : i32 to vector<16xi32>
        %add3A_66 = arith.addi %select_n3A, %add3A_65 : vector<16xi32>
        %gather3A_67 = tpu.vector_load_idx %arg6[%add3A_66] : memref<5120xf32, #tpu.memory_space<vmem>>[vector<16xi32>], vector<16xf32>,
        %jit3A_68 = arith.constant -1.000000e+00 : f32
        %broadcast_in_dim3A_69 = vector.broadcast %jit3A_68 : f32 to vector<16xf32>
        %select_n3A_70 = arith.select %lt3A_31, %gather3A_67, %broadcast_in_dim3A_69 : vector<16xi1>, vector<16xf32>
        %add3A_71 = arith.constant 3072 : i32
        %add3A_72 = arith.addi %mul3A_27, %add3A_71 : i32
        %swap3A_73 = arith.index_cast %add3A_72 : i32 to index
        %swap3A_74 = tpu.vector_load %arg8[%swap3A_73] {strides = array<i32>} : memref<5120xf32, #tpu.memory_space<vmem>>, vector<16xf32>,
        tpu.vector_store %arg8[%swap3A_73], %select_n3A_70 {strides = array<i32>} : memref<5120xf32, #tpu.memory_space<vmem>>, vector<16xf32>,
        %add3A_75 = arith.constant 4096 : i32
        %add3A_76 = vector.broadcast %add3A_75 : i32 to vector<16xi32>
        %add3A_77 = arith.addi %select_n3A, %add3A_76 : vector<16xi32>
        %gather3A_78 = tpu.vector_load_idx %arg6[%add3A_77] : memref<5120xf32, #tpu.memory_space<vmem>>[vector<16xi32>], vector<16xf32>,
        %jit3A_79 = arith.constant 0.000000e+00 : f32
        %broadcast_in_dim3A_80 = vector.broadcast %jit3A_79 : f32 to vector<16xf32>
        %select_n3A_81 = arith.select %lt3A_31, %gather3A_78, %broadcast_in_dim3A_80 : vector<16xi1>, vector<16xf32>
        %add3A_82 = arith.constant 4096 : i32
        %add3A_83 = arith.addi %mul3A_27, %add3A_82 : i32
        %swap3A_84 = arith.index_cast %add3A_83 : i32 to index
        %swap3A_85 = tpu.vector_load %arg8[%swap3A_84] {strides = array<i32>} : memref<5120xf32, #tpu.memory_space<vmem>>, vector<16xf32>,
        tpu.vector_store %arg8[%swap3A_84], %select_n3A_81 {strides = array<i32>} : memref<5120xf32, #tpu.memory_space<vmem>>, vector<16xf32>,
      }
      %scan3A_20 = arith.constant 64 : i32
      %mul3A_21 = arith.constant 5 : i32
      %mul3A_22 = arith.muli %add3A, %mul3A_21 : i32
      %mul3A_23 = arith.constant 1024 : i32
      %mul3A_24 = arith.muli %mul3A_22, %mul3A_23 : i32
      "tpu.region"() ({
        %run_scoped3A = tpu.sem_alloc : memref<!tpu.dma_semaphore, #tpu.memory_space<semaphore_mem>>
        %dma_start3A = tpu.memref_slice %arg4[%mul3A_24] : memref<81920xf32, #tpu.memory_space<hbm>> -> memref<5120xf32, #tpu.memory_space<hbm>>
        %dma_start3A_25 = tpu.memref_slice %arg4[%mul3A_24] : memref<81920xf32, #tpu.memory_space<hbm>> -> memref<5120xf32, #tpu.memory_space<hbm>>
        tpu.enqueue_dma source(%arg8 : memref<5120xf32, #tpu.memory_space<vmem>>) target(%dma_start3A_25 : memref<5120xf32, #tpu.memory_space<hbm>>) target_semaphore(%run_scoped3A : memref<!tpu.dma_semaphore, #tpu.memory_space<semaphore_mem>>)
        %dma_wait3A = tpu.memref_slice %arg4[%mul3A_24] : memref<81920xf32, #tpu.memory_space<hbm>> -> memref<5120xf32, #tpu.memory_space<hbm>>
        %dma_wait3A_26 = tpu.memref_slice %arg4[%mul3A_24] : memref<81920xf32, #tpu.memory_space<hbm>> -> memref<5120xf32, #tpu.memory_space<hbm>>
        tpu.wait_dma2 semaphore(%run_scoped3A : memref<!tpu.dma_semaphore, #tpu.memory_space<semaphore_mem>>) src(%arg8 : memref<5120xf32, #tpu.memory_space<vmem>>) dst(%dma_wait3A_26 : memref<5120xf32, #tpu.memory_space<hbm>>)
        tpu.yield
      }) : () -> ()
    } else {
    }
    return
  }
}

module attributes {stable_mosaic.version = 14 : i64} {
  func.func @_score_body(%arg0: i32, %arg1: memref<1x8x1024xf32, #tpu.memory_space<vmem>>, %arg2: memref<1x1024x8xf32, #tpu.memory_space<vmem>>, %arg3: memref<1x8x128xf32, #tpu.memory_space<vmem>>, %arg4: memref<1x1x1024xi32, #tpu.memory_space<vmem>>) attributes {dimension_semantics = [#tpu.dimension_semantics<arbitrary>], iteration_bounds = array<i64: 16>, scalar_prefetch = 0 : i64, scratch_operands = 0 : i64, tpu.core_type = #tpu.core_type<tc>, window_params = [{transform_indices = @transform_0, window_bounds = array<i64: 1, 8, 1024>}, {transform_indices = @transform_1, window_bounds = array<i64: 1, 1024, 8>}, {transform_indices = @transform_2, window_bounds = array<i64: 1, 8, 128>}, {transform_indices = @transform_3, window_bounds = array<i64: 1, 1, 1024>}]} {
    %get3A = arith.constant 0 : index
    %get3A_0 = arith.constant 0 : index
    %get3A_1 = arith.constant 0 : index
    %get3A_2 = vector.load %arg1[%get3A, %get3A_0, %get3A_1] : memref<1x8x1024xf32, #tpu.memory_space<vmem>>, vector<1x8x1024xf32>
    %get3A_3 = vector.shape_cast %get3A_2 : vector<1x8x1024xf32> to vector<8x1024xf32>
    %slice3A = vector.extract_strided_slice %get3A_3 {offsets = [0, 0], sizes = [1, 1024], strides = [1, 1]} : vector<8x1024xf32> to vector<1x1024xf32>
    %slice3A_4 = vector.extract_strided_slice %get3A_3 {offsets = [1, 0], sizes = [1, 1024], strides = [1, 1]} : vector<8x1024xf32> to vector<1x1024xf32>
    %slice3A_5 = vector.extract_strided_slice %get3A_3 {offsets = [2, 0], sizes = [1, 1024], strides = [1, 1]} : vector<8x1024xf32> to vector<1x1024xf32>
    %slice3A_6 = vector.extract_strided_slice %get3A_3 {offsets = [3, 0], sizes = [1, 1024], strides = [1, 1]} : vector<8x1024xf32> to vector<1x1024xf32>
    %slice3A_7 = vector.extract_strided_slice %get3A_3 {offsets = [4, 0], sizes = [1, 1024], strides = [1, 1]} : vector<8x1024xf32> to vector<1x1024xf32>
    %mul3A = arith.constant 1.400000e+01 : f32
    %mul3A_8 = vector.broadcast %mul3A : f32 to vector<1x1024xf32>
    %mul3A_9 = arith.mulf %slice3A, %mul3A_8 : vector<1x1024xf32>
    %bitcast_convert_type3A = tpu.bitcast %mul3A_9 : vector<1x1024xf32> -> vector<1x1024xi32>
    %shift_right_logical3A = arith.constant 16 : i32
    %shift_right_logical3A_10 = vector.broadcast %shift_right_logical3A : i32 to vector<1x1024xi32>
    %shift_right_logical3A_11 = arith.shrui %bitcast_convert_type3A, %shift_right_logical3A_10 : vector<1x1024xi32>
    %and3A = arith.constant 1 : i32
    %and3A_12 = vector.broadcast %and3A : i32 to vector<1x1024xi32>
    %and3A_13 = arith.andi %shift_right_logical3A_11, %and3A_12 : vector<1x1024xi32>
    %add3A = arith.constant 32767 : i32
    %add3A_14 = vector.broadcast %add3A : i32 to vector<1x1024xi32>
    %add3A_15 = arith.addi %bitcast_convert_type3A, %add3A_14 : vector<1x1024xi32>
    %add3A_16 = arith.addi %add3A_15, %and3A_13 : vector<1x1024xi32>
    %and3A_17 = arith.constant -65536 : i32
    %and3A_18 = vector.broadcast %and3A_17 : i32 to vector<1x1024xi32>
    %and3A_19 = arith.andi %add3A_16, %and3A_18 : vector<1x1024xi32>
    %bitcast_convert_type3A_20 = tpu.bitcast %and3A_19 : vector<1x1024xi32> -> vector<1x1024xf32>
    %mul3A_21 = arith.constant 1.400000e+01 : f32
    %mul3A_22 = vector.broadcast %mul3A_21 : f32 to vector<1x1024xf32>
    %mul3A_23 = arith.mulf %slice3A_4, %mul3A_22 : vector<1x1024xf32>
    %bitcast_convert_type3A_24 = tpu.bitcast %mul3A_23 : vector<1x1024xf32> -> vector<1x1024xi32>
    %shift_right_logical3A_25 = arith.constant 16 : i32
    %shift_right_logical3A_26 = vector.broadcast %shift_right_logical3A_25 : i32 to vector<1x1024xi32>
    %shift_right_logical3A_27 = arith.shrui %bitcast_convert_type3A_24, %shift_right_logical3A_26 : vector<1x1024xi32>
    %and3A_28 = arith.constant 1 : i32
    %and3A_29 = vector.broadcast %and3A_28 : i32 to vector<1x1024xi32>
    %and3A_30 = arith.andi %shift_right_logical3A_27, %and3A_29 : vector<1x1024xi32>
    %add3A_31 = arith.constant 32767 : i32
    %add3A_32 = vector.broadcast %add3A_31 : i32 to vector<1x1024xi32>
    %add3A_33 = arith.addi %bitcast_convert_type3A_24, %add3A_32 : vector<1x1024xi32>
    %add3A_34 = arith.addi %add3A_33, %and3A_30 : vector<1x1024xi32>
    %and3A_35 = arith.constant -65536 : i32
    %and3A_36 = vector.broadcast %and3A_35 : i32 to vector<1x1024xi32>
    %and3A_37 = arith.andi %add3A_34, %and3A_36 : vector<1x1024xi32>
    %bitcast_convert_type3A_38 = tpu.bitcast %and3A_37 : vector<1x1024xi32> -> vector<1x1024xf32>
    %mul3A_39 = arith.constant 1.400000e+01 : f32
    %mul3A_40 = vector.broadcast %mul3A_39 : f32 to vector<1x1024xf32>
    %mul3A_41 = arith.mulf %slice3A_5, %mul3A_40 : vector<1x1024xf32>
    %mul3A_42 = arith.constant 1.400000e+01 : f32
    %mul3A_43 = vector.broadcast %mul3A_42 : f32 to vector<1x1024xf32>
    %mul3A_44 = arith.mulf %slice3A_6, %mul3A_43 : vector<1x1024xf32>
    %iota3A = tpu.iota {dimensions = array<i32: 1>} : vector<1x1024xi32>
    %lt3A = arith.constant 1000 : i32
    %lt3A_45 = vector.broadcast %lt3A : i32 to vector<1x1024xi32>
    %lt3A_46 = arith.cmpi slt, %iota3A, %lt3A_45 : vector<1x1024xi32>
    %jit3A = arith.constant 0.000000e+00 : f32
    %broadcast_in_dim3A = vector.broadcast %jit3A : f32 to vector<1x1024xf32>
    %select_n3A = arith.select %lt3A_46, %slice3A_7, %broadcast_in_dim3A : vector<1x1024xi1>, vector<1x1024xf32>
    %get3A_47 = arith.constant 0 : index
    %get3A_48 = arith.constant 0 : index
    %get3A_49 = arith.constant 0 : index
    %get3A_50 = vector.load %arg2[%get3A_47, %get3A_48, %get3A_49] : memref<1x1024x8xf32, #tpu.memory_space<vmem>>, vector<1x1024x8xf32>
    %get3A_51 = vector.shape_cast %get3A_50 : vector<1x1024x8xf32> to vector<1024x8xf32>
    %slice3A_52 = vector.extract_strided_slice %get3A_51 {offsets = [0, 0], sizes = [1024, 1], strides = [1, 1]} : vector<1024x8xf32> to vector<1024x1xf32>
    %slice3A_53 = vector.extract_strided_slice %get3A_51 {offsets = [0, 1], sizes = [1024, 1], strides = [1, 1]} : vector<1024x8xf32> to vector<1024x1xf32>
    %slice3A_54 = vector.extract_strided_slice %get3A_51 {offsets = [0, 2], sizes = [1024, 1], strides = [1, 1]} : vector<1024x8xf32> to vector<1024x1xf32>
    %slice3A_55 = vector.extract_strided_slice %get3A_51 {offsets = [0, 3], sizes = [1024, 1], strides = [1, 1]} : vector<1024x8xf32> to vector<1024x1xf32>
    %slice3A_56 = vector.extract_strided_slice %get3A_51 {offsets = [0, 4], sizes = [1024, 1], strides = [1, 1]} : vector<1024x8xf32> to vector<1024x1xf32>
    %slice3A_57 = vector.extract_strided_slice %get3A_51 {offsets = [0, 5], sizes = [1024, 1], strides = [1, 1]} : vector<1024x8xf32> to vector<1024x1xf32>
    %slice3A_58 = vector.extract_strided_slice %get3A_51 {offsets = [0, 6], sizes = [1024, 1], strides = [1, 1]} : vector<1024x8xf32> to vector<1024x1xf32>
    %slice3A_59 = vector.extract_strided_slice %get3A_51 {offsets = [0, 7], sizes = [1024, 1], strides = [1, 1]} : vector<1024x8xf32> to vector<1024x1xf32>
    %mul3A_60 = arith.constant 1.400000e+01 : f32
    %mul3A_61 = vector.broadcast %mul3A_60 : f32 to vector<1024x1xf32>
    %mul3A_62 = arith.mulf %slice3A_52, %mul3A_61 : vector<1024x1xf32>
    %bitcast_convert_type3A_63 = tpu.bitcast %mul3A_62 : vector<1024x1xf32> -> vector<1024x1xi32>
    %shift_right_logical3A_64 = arith.constant 16 : i32
    %shift_right_logical3A_65 = vector.broadcast %shift_right_logical3A_64 : i32 to vector<1024x1xi32>
    %shift_right_logical3A_66 = arith.shrui %bitcast_convert_type3A_63, %shift_right_logical3A_65 : vector<1024x1xi32>
    %and3A_67 = arith.constant 1 : i32
    %and3A_68 = vector.broadcast %and3A_67 : i32 to vector<1024x1xi32>
    %and3A_69 = arith.andi %shift_right_logical3A_66, %and3A_68 : vector<1024x1xi32>
    %add3A_70 = arith.constant 32767 : i32
    %add3A_71 = vector.broadcast %add3A_70 : i32 to vector<1024x1xi32>
    %add3A_72 = arith.addi %bitcast_convert_type3A_63, %add3A_71 : vector<1024x1xi32>
    %add3A_73 = arith.addi %add3A_72, %and3A_69 : vector<1024x1xi32>
    %and3A_74 = arith.constant -65536 : i32
    %and3A_75 = vector.broadcast %and3A_74 : i32 to vector<1024x1xi32>
    %and3A_76 = arith.andi %add3A_73, %and3A_75 : vector<1024x1xi32>
    %bitcast_convert_type3A_77 = tpu.bitcast %and3A_76 : vector<1024x1xi32> -> vector<1024x1xf32>
    %mul3A_78 = arith.constant 1.400000e+01 : f32
    %mul3A_79 = vector.broadcast %mul3A_78 : f32 to vector<1024x1xf32>
    %mul3A_80 = arith.mulf %slice3A_53, %mul3A_79 : vector<1024x1xf32>
    %bitcast_convert_type3A_81 = tpu.bitcast %mul3A_80 : vector<1024x1xf32> -> vector<1024x1xi32>
    %shift_right_logical3A_82 = arith.constant 16 : i32
    %shift_right_logical3A_83 = vector.broadcast %shift_right_logical3A_82 : i32 to vector<1024x1xi32>
    %shift_right_logical3A_84 = arith.shrui %bitcast_convert_type3A_81, %shift_right_logical3A_83 : vector<1024x1xi32>
    %and3A_85 = arith.constant 1 : i32
    %and3A_86 = vector.broadcast %and3A_85 : i32 to vector<1024x1xi32>
    %and3A_87 = arith.andi %shift_right_logical3A_84, %and3A_86 : vector<1024x1xi32>
    %add3A_88 = arith.constant 32767 : i32
    %add3A_89 = vector.broadcast %add3A_88 : i32 to vector<1024x1xi32>
    %add3A_90 = arith.addi %bitcast_convert_type3A_81, %add3A_89 : vector<1024x1xi32>
    %add3A_91 = arith.addi %add3A_90, %and3A_87 : vector<1024x1xi32>
    %and3A_92 = arith.constant -65536 : i32
    %and3A_93 = vector.broadcast %and3A_92 : i32 to vector<1024x1xi32>
    %and3A_94 = arith.andi %add3A_91, %and3A_93 : vector<1024x1xi32>
    %bitcast_convert_type3A_95 = tpu.bitcast %and3A_94 : vector<1024x1xi32> -> vector<1024x1xf32>
    %mul3A_96 = arith.mulf %slice3A_57, %slice3A_58 : vector<1024x1xf32>
    %mul3A_97 = arith.mulf %slice3A_57, %slice3A_59 : vector<1024x1xf32>
    %bitcast_convert_type3A_98 = tpu.bitcast %mul3A_96 : vector<1024x1xf32> -> vector<1024x1xi32>
    %shift_right_logical3A_99 = arith.constant 16 : i32
    %shift_right_logical3A_100 = vector.broadcast %shift_right_logical3A_99 : i32 to vector<1024x1xi32>
    %shift_right_logical3A_101 = arith.shrui %bitcast_convert_type3A_98, %shift_right_logical3A_100 : vector<1024x1xi32>
    %and3A_102 = arith.constant 1 : i32
    %and3A_103 = vector.broadcast %and3A_102 : i32 to vector<1024x1xi32>
    %and3A_104 = arith.andi %shift_right_logical3A_101, %and3A_103 : vector<1024x1xi32>
    %add3A_105 = arith.constant 32767 : i32
    %add3A_106 = vector.broadcast %add3A_105 : i32 to vector<1024x1xi32>
    %add3A_107 = arith.addi %bitcast_convert_type3A_98, %add3A_106 : vector<1024x1xi32>
    %add3A_108 = arith.addi %add3A_107, %and3A_104 : vector<1024x1xi32>
    %and3A_109 = arith.constant -65536 : i32
    %and3A_110 = vector.broadcast %and3A_109 : i32 to vector<1024x1xi32>
    %and3A_111 = arith.andi %add3A_108, %and3A_110 : vector<1024x1xi32>
    %bitcast_convert_type3A_112 = tpu.bitcast %and3A_111 : vector<1024x1xi32> -> vector<1024x1xf32>
    %bitcast_convert_type3A_113 = tpu.bitcast %mul3A_97 : vector<1024x1xf32> -> vector<1024x1xi32>
    %shift_right_logical3A_114 = arith.constant 16 : i32
    %shift_right_logical3A_115 = vector.broadcast %shift_right_logical3A_114 : i32 to vector<1024x1xi32>
    %shift_right_logical3A_116 = arith.shrui %bitcast_convert_type3A_113, %shift_right_logical3A_115 : vector<1024x1xi32>
    %and3A_117 = arith.constant 1 : i32
    %and3A_118 = vector.broadcast %and3A_117 : i32 to vector<1024x1xi32>
    %and3A_119 = arith.andi %shift_right_logical3A_116, %and3A_118 : vector<1024x1xi32>
    %add3A_120 = arith.constant 32767 : i32
    %add3A_121 = vector.broadcast %add3A_120 : i32 to vector<1024x1xi32>
    %add3A_122 = arith.addi %bitcast_convert_type3A_113, %add3A_121 : vector<1024x1xi32>
    %add3A_123 = arith.addi %add3A_122, %and3A_119 : vector<1024x1xi32>
    %and3A_124 = arith.constant -65536 : i32
    %and3A_125 = vector.broadcast %and3A_124 : i32 to vector<1024x1xi32>
    %and3A_126 = arith.andi %add3A_123, %and3A_125 : vector<1024x1xi32>
    %bitcast_convert_type3A_127 = tpu.bitcast %and3A_126 : vector<1024x1xi32> -> vector<1024x1xf32>
    %mul3A_128 = arith.constant 1.400000e+01 : f32
    %mul3A_129 = vector.broadcast %mul3A_128 : f32 to vector<1024x1xf32>
    %mul3A_130 = arith.mulf %slice3A_54, %mul3A_129 : vector<1024x1xf32>
    %mul3A_131 = arith.mulf %bitcast_convert_type3A_112, %bitcast_convert_type3A_77 : vector<1024x1xf32>
    %mul3A_132 = arith.mulf %bitcast_convert_type3A_127, %bitcast_convert_type3A_95 : vector<1024x1xf32>
    %sub3A = arith.subf %mul3A_131, %mul3A_132 : vector<1024x1xf32>
    %sub3A_133 = arith.subf %mul3A_130, %sub3A : vector<1024x1xf32>
    %mul3A_134 = arith.constant 1.400000e+01 : f32
    %mul3A_135 = vector.broadcast %mul3A_134 : f32 to vector<1024x1xf32>
    %mul3A_136 = arith.mulf %slice3A_55, %mul3A_135 : vector<1024x1xf32>
    %mul3A_137 = arith.mulf %bitcast_convert_type3A_127, %bitcast_convert_type3A_77 : vector<1024x1xf32>
    %mul3A_138 = arith.mulf %bitcast_convert_type3A_112, %bitcast_convert_type3A_95 : vector<1024x1xf32>
    %add3A_139 = arith.addf %mul3A_137, %mul3A_138 : vector<1024x1xf32>
    %sub3A_140 = arith.subf %mul3A_136, %add3A_139 : vector<1024x1xf32>
    %iota3A_141 = tpu.iota {dimensions = array<i32: 0>} : vector<1024x1xi32>
    %slice3A_142 = vector.extract_strided_slice %bitcast_convert_type3A_112 {offsets = [0, 0], sizes = [128, 1], strides = [1, 1]} : vector<1024x1xf32> to vector<128x1xf32>
    %slice3A_143 = vector.extract_strided_slice %bitcast_convert_type3A_127 {offsets = [0, 0], sizes = [128, 1], strides = [1, 1]} : vector<1024x1xf32> to vector<128x1xf32>
    %slice3A_144 = vector.extract_strided_slice %sub3A_133 {offsets = [0, 0], sizes = [128, 1], strides = [1, 1]} : vector<1024x1xf32> to vector<128x1xf32>
    %slice3A_145 = vector.extract_strided_slice %sub3A_140 {offsets = [0, 0], sizes = [128, 1], strides = [1, 1]} : vector<1024x1xf32> to vector<128x1xf32>
    %mul3A_146 = vector.broadcast %slice3A_142 : vector<128x1xf32> to vector<128x1024xf32>
    %mul3A_147 = vector.broadcast %bitcast_convert_type3A_20 : vector<1x1024xf32> to vector<128x1024xf32>
    %mul3A_148 = arith.mulf %mul3A_146, %mul3A_147 : vector<128x1024xf32>
    %mul3A_149 = vector.broadcast %slice3A_143 : vector<128x1xf32> to vector<128x1024xf32>
    %mul3A_150 = vector.broadcast %bitcast_convert_type3A_38 : vector<1x1024xf32> to vector<128x1024xf32>
    %mul3A_151 = arith.mulf %mul3A_149, %mul3A_150 : vector<128x1024xf32>
    %sub3A_152 = arith.subf %mul3A_148, %mul3A_151 : vector<128x1024xf32>
    %add3A_153 = vector.broadcast %slice3A_144 : vector<128x1xf32> to vector<128x1024xf32>
    %add3A_154 = arith.addf %sub3A_152, %add3A_153 : vector<128x1024xf32>
    %mul3A_155 = vector.broadcast %slice3A_143 : vector<128x1xf32> to vector<128x1024xf32>
    %mul3A_156 = vector.broadcast %bitcast_convert_type3A_20 : vector<1x1024xf32> to vector<128x1024xf32>
    %mul3A_157 = arith.mulf %mul3A_155, %mul3A_156 : vector<128x1024xf32>
    %mul3A_158 = vector.broadcast %slice3A_142 : vector<128x1xf32> to vector<128x1024xf32>
    %mul3A_159 = vector.broadcast %bitcast_convert_type3A_38 : vector<1x1024xf32> to vector<128x1024xf32>
    %mul3A_160 = arith.mulf %mul3A_158, %mul3A_159 : vector<128x1024xf32>
    %add3A_161 = arith.addf %mul3A_157, %mul3A_160 : vector<128x1024xf32>
    %add3A_162 = vector.broadcast %slice3A_145 : vector<128x1xf32> to vector<128x1024xf32>
    %add3A_163 = arith.addf %add3A_161, %add3A_162 : vector<128x1024xf32>
    %sub3A_164 = vector.broadcast %mul3A_41 : vector<1x1024xf32> to vector<128x1024xf32>
    %sub3A_165 = arith.subf %sub3A_164, %add3A_154 : vector<128x1024xf32>
    %sub3A_166 = vector.broadcast %mul3A_44 : vector<1x1024xf32> to vector<128x1024xf32>
    %sub3A_167 = arith.subf %sub3A_166, %add3A_163 : vector<128x1024xf32>
    %mul3A_168 = arith.mulf %sub3A_165, %sub3A_165 : vector<128x1024xf32>
    %mul3A_169 = arith.mulf %sub3A_167, %sub3A_167 : vector<128x1024xf32>
    %add3A_170 = arith.addf %mul3A_168, %mul3A_169 : vector<128x1024xf32>
    %le3A = arith.constant 100.000008 : f32
    %le3A_171 = vector.broadcast %le3A : f32 to vector<128x1024xf32>
    %le3A_172 = arith.cmpf ole, %add3A_170, %le3A_171 : vector<128x1024xf32>
    %jit3A_173 = arith.constant 0.000000e+00 : f32
    %broadcast_in_dim3A_174 = vector.shape_cast %select_n3A : vector<1x1024xf32> to vector<1x1024xf32>
    %broadcast_in_dim3A_175 = vector.broadcast %broadcast_in_dim3A_174 : vector<1x1024xf32> to vector<128x1024xf32>
    %broadcast_in_dim3A_176 = vector.broadcast %jit3A_173 : f32 to vector<128x1024xf32>
    %select_n3A_177 = arith.select %le3A_172, %broadcast_in_dim3A_175, %broadcast_in_dim3A_176 : vector<128x1024xi1>, vector<128x1024xf32>
    %reduce_sum3A = arith.constant dense<0.000000e+00> : vector<128xf32>
    %reduce_sum3A_178 = vector.multi_reduction <add>, %select_n3A_177, %reduce_sum3A [1] : vector<128x1024xf32> to vector<128xf32>
    %broadcast_in_dim3A_179 = vector.shape_cast %reduce_sum3A_178 : vector<128xf32> to vector<128x1xf32>
    %slice3A_180 = vector.extract_strided_slice %slice3A_56 {offsets = [0, 0], sizes = [128, 1], strides = [1, 1]} : vector<1024x1xf32> to vector<128x1xf32>
    %sub3A_181 = arith.subf %broadcast_in_dim3A_179, %slice3A_180 : vector<128x1xf32>
    %slice3A_182 = vector.extract_strided_slice %iota3A_141 {offsets = [0, 0], sizes = [128, 1], strides = [1, 1]} : vector<1024x1xi32> to vector<128x1xi32>
    %lt3A_183 = arith.constant 1000 : i32
    %lt3A_184 = vector.broadcast %lt3A_183 : i32 to vector<128x1xi32>
    %lt3A_185 = arith.cmpi slt, %slice3A_182, %lt3A_184 : vector<128x1xi32>
    %jit3A_186 = arith.constant -1.000000e+00 : f32
    %broadcast_in_dim3A_187 = vector.broadcast %jit3A_186 : f32 to vector<128x1xf32>
    %select_n3A_188 = arith.select %lt3A_185, %sub3A_181, %broadcast_in_dim3A_187 : vector<128x1xi1>, vector<128x1xf32>
    %slice3A_189 = vector.extract_strided_slice %bitcast_convert_type3A_112 {offsets = [128, 0], sizes = [128, 1], strides = [1, 1]} : vector<1024x1xf32> to vector<128x1xf32>
    %slice3A_190 = vector.extract_strided_slice %bitcast_convert_type3A_127 {offsets = [128, 0], sizes = [128, 1], strides = [1, 1]} : vector<1024x1xf32> to vector<128x1xf32>
    %slice3A_191 = vector.extract_strided_slice %sub3A_133 {offsets = [128, 0], sizes = [128, 1], strides = [1, 1]} : vector<1024x1xf32> to vector<128x1xf32>
    %slice3A_192 = vector.extract_strided_slice %sub3A_140 {offsets = [128, 0], sizes = [128, 1], strides = [1, 1]} : vector<1024x1xf32> to vector<128x1xf32>
    %mul3A_193 = vector.broadcast %slice3A_189 : vector<128x1xf32> to vector<128x1024xf32>
    %mul3A_194 = vector.broadcast %bitcast_convert_type3A_20 : vector<1x1024xf32> to vector<128x1024xf32>
    %mul3A_195 = arith.mulf %mul3A_193, %mul3A_194 : vector<128x1024xf32>
    %mul3A_196 = vector.broadcast %slice3A_190 : vector<128x1xf32> to vector<128x1024xf32>
    %mul3A_197 = vector.broadcast %bitcast_convert_type3A_38 : vector<1x1024xf32> to vector<128x1024xf32>
    %mul3A_198 = arith.mulf %mul3A_196, %mul3A_197 : vector<128x1024xf32>
    %sub3A_199 = arith.subf %mul3A_195, %mul3A_198 : vector<128x1024xf32>
    %add3A_200 = vector.broadcast %slice3A_191 : vector<128x1xf32> to vector<128x1024xf32>
    %add3A_201 = arith.addf %sub3A_199, %add3A_200 : vector<128x1024xf32>
    %mul3A_202 = vector.broadcast %slice3A_190 : vector<128x1xf32> to vector<128x1024xf32>
    %mul3A_203 = vector.broadcast %bitcast_convert_type3A_20 : vector<1x1024xf32> to vector<128x1024xf32>
    %mul3A_204 = arith.mulf %mul3A_202, %mul3A_203 : vector<128x1024xf32>
    %mul3A_205 = vector.broadcast %slice3A_189 : vector<128x1xf32> to vector<128x1024xf32>
    %mul3A_206 = vector.broadcast %bitcast_convert_type3A_38 : vector<1x1024xf32> to vector<128x1024xf32>
    %mul3A_207 = arith.mulf %mul3A_205, %mul3A_206 : vector<128x1024xf32>
    %add3A_208 = arith.addf %mul3A_204, %mul3A_207 : vector<128x1024xf32>
    %add3A_209 = vector.broadcast %slice3A_192 : vector<128x1xf32> to vector<128x1024xf32>
    %add3A_210 = arith.addf %add3A_208, %add3A_209 : vector<128x1024xf32>
    %sub3A_211 = vector.broadcast %mul3A_41 : vector<1x1024xf32> to vector<128x1024xf32>
    %sub3A_212 = arith.subf %sub3A_211, %add3A_201 : vector<128x1024xf32>
    %sub3A_213 = vector.broadcast %mul3A_44 : vector<1x1024xf32> to vector<128x1024xf32>
    %sub3A_214 = arith.subf %sub3A_213, %add3A_210 : vector<128x1024xf32>
    %mul3A_215 = arith.mulf %sub3A_212, %sub3A_212 : vector<128x1024xf32>
    %mul3A_216 = arith.mulf %sub3A_214, %sub3A_214 : vector<128x1024xf32>
    %add3A_217 = arith.addf %mul3A_215, %mul3A_216 : vector<128x1024xf32>
    %le3A_218 = arith.constant 100.000008 : f32
    %le3A_219 = vector.broadcast %le3A_218 : f32 to vector<128x1024xf32>
    %le3A_220 = arith.cmpf ole, %add3A_217, %le3A_219 : vector<128x1024xf32>
    %jit3A_221 = arith.constant 0.000000e+00 : f32
    %broadcast_in_dim3A_222 = vector.shape_cast %select_n3A : vector<1x1024xf32> to vector<1x1024xf32>
    %broadcast_in_dim3A_223 = vector.broadcast %broadcast_in_dim3A_222 : vector<1x1024xf32> to vector<128x1024xf32>
    %broadcast_in_dim3A_224 = vector.broadcast %jit3A_221 : f32 to vector<128x1024xf32>
    %select_n3A_225 = arith.select %le3A_220, %broadcast_in_dim3A_223, %broadcast_in_dim3A_224 : vector<128x1024xi1>, vector<128x1024xf32>
    %reduce_sum3A_226 = arith.constant dense<0.000000e+00> : vector<128xf32>
    %reduce_sum3A_227 = vector.multi_reduction <add>, %select_n3A_225, %reduce_sum3A_226 [1] : vector<128x1024xf32> to vector<128xf32>
    %broadcast_in_dim3A_228 = vector.shape_cast %reduce_sum3A_227 : vector<128xf32> to vector<128x1xf32>
    %slice3A_229 = vector.extract_strided_slice %slice3A_56 {offsets = [128, 0], sizes = [128, 1], strides = [1, 1]} : vector<1024x1xf32> to vector<128x1xf32>
    %sub3A_230 = arith.subf %broadcast_in_dim3A_228, %slice3A_229 : vector<128x1xf32>
    %slice3A_231 = vector.extract_strided_slice %iota3A_141 {offsets = [128, 0], sizes = [128, 1], strides = [1, 1]} : vector<1024x1xi32> to vector<128x1xi32>
    %lt3A_232 = arith.constant 1000 : i32
    %lt3A_233 = vector.broadcast %lt3A_232 : i32 to vector<128x1xi32>
    %lt3A_234 = arith.cmpi slt, %slice3A_231, %lt3A_233 : vector<128x1xi32>
    %jit3A_235 = arith.constant -1.000000e+00 : f32
    %broadcast_in_dim3A_236 = vector.broadcast %jit3A_235 : f32 to vector<128x1xf32>
    %select_n3A_237 = arith.select %lt3A_234, %sub3A_230, %broadcast_in_dim3A_236 : vector<128x1xi1>, vector<128x1xf32>
    %slice3A_238 = vector.extract_strided_slice %bitcast_convert_type3A_112 {offsets = [256, 0], sizes = [128, 1], strides = [1, 1]} : vector<1024x1xf32> to vector<128x1xf32>
    %slice3A_239 = vector.extract_strided_slice %bitcast_convert_type3A_127 {offsets = [256, 0], sizes = [128, 1], strides = [1, 1]} : vector<1024x1xf32> to vector<128x1xf32>
    %slice3A_240 = vector.extract_strided_slice %sub3A_133 {offsets = [256, 0], sizes = [128, 1], strides = [1, 1]} : vector<1024x1xf32> to vector<128x1xf32>
    %slice3A_241 = vector.extract_strided_slice %sub3A_140 {offsets = [256, 0], sizes = [128, 1], strides = [1, 1]} : vector<1024x1xf32> to vector<128x1xf32>
    %mul3A_242 = vector.broadcast %slice3A_238 : vector<128x1xf32> to vector<128x1024xf32>
    %mul3A_243 = vector.broadcast %bitcast_convert_type3A_20 : vector<1x1024xf32> to vector<128x1024xf32>
    %mul3A_244 = arith.mulf %mul3A_242, %mul3A_243 : vector<128x1024xf32>
    %mul3A_245 = vector.broadcast %slice3A_239 : vector<128x1xf32> to vector<128x1024xf32>
    %mul3A_246 = vector.broadcast %bitcast_convert_type3A_38 : vector<1x1024xf32> to vector<128x1024xf32>
    %mul3A_247 = arith.mulf %mul3A_245, %mul3A_246 : vector<128x1024xf32>
    %sub3A_248 = arith.subf %mul3A_244, %mul3A_247 : vector<128x1024xf32>
    %add3A_249 = vector.broadcast %slice3A_240 : vector<128x1xf32> to vector<128x1024xf32>
    %add3A_250 = arith.addf %sub3A_248, %add3A_249 : vector<128x1024xf32>
    %mul3A_251 = vector.broadcast %slice3A_239 : vector<128x1xf32> to vector<128x1024xf32>
    %mul3A_252 = vector.broadcast %bitcast_convert_type3A_20 : vector<1x1024xf32> to vector<128x1024xf32>
    %mul3A_253 = arith.mulf %mul3A_251, %mul3A_252 : vector<128x1024xf32>
    %mul3A_254 = vector.broadcast %slice3A_238 : vector<128x1xf32> to vector<128x1024xf32>
    %mul3A_255 = vector.broadcast %bitcast_convert_type3A_38 : vector<1x1024xf32> to vector<128x1024xf32>
    %mul3A_256 = arith.mulf %mul3A_254, %mul3A_255 : vector<128x1024xf32>
    %add3A_257 = arith.addf %mul3A_253, %mul3A_256 : vector<128x1024xf32>
    %add3A_258 = vector.broadcast %slice3A_241 : vector<128x1xf32> to vector<128x1024xf32>
    %add3A_259 = arith.addf %add3A_257, %add3A_258 : vector<128x1024xf32>
    %sub3A_260 = vector.broadcast %mul3A_41 : vector<1x1024xf32> to vector<128x1024xf32>
    %sub3A_261 = arith.subf %sub3A_260, %add3A_250 : vector<128x1024xf32>
    %sub3A_262 = vector.broadcast %mul3A_44 : vector<1x1024xf32> to vector<128x1024xf32>
    %sub3A_263 = arith.subf %sub3A_262, %add3A_259 : vector<128x1024xf32>
    %mul3A_264 = arith.mulf %sub3A_261, %sub3A_261 : vector<128x1024xf32>
    %mul3A_265 = arith.mulf %sub3A_263, %sub3A_263 : vector<128x1024xf32>
    %add3A_266 = arith.addf %mul3A_264, %mul3A_265 : vector<128x1024xf32>
    %le3A_267 = arith.constant 100.000008 : f32
    %le3A_268 = vector.broadcast %le3A_267 : f32 to vector<128x1024xf32>
    %le3A_269 = arith.cmpf ole, %add3A_266, %le3A_268 : vector<128x1024xf32>
    %jit3A_270 = arith.constant 0.000000e+00 : f32
    %broadcast_in_dim3A_271 = vector.shape_cast %select_n3A : vector<1x1024xf32> to vector<1x1024xf32>
    %broadcast_in_dim3A_272 = vector.broadcast %broadcast_in_dim3A_271 : vector<1x1024xf32> to vector<128x1024xf32>
    %broadcast_in_dim3A_273 = vector.broadcast %jit3A_270 : f32 to vector<128x1024xf32>
    %select_n3A_274 = arith.select %le3A_269, %broadcast_in_dim3A_272, %broadcast_in_dim3A_273 : vector<128x1024xi1>, vector<128x1024xf32>
    %reduce_sum3A_275 = arith.constant dense<0.000000e+00> : vector<128xf32>
    %reduce_sum3A_276 = vector.multi_reduction <add>, %select_n3A_274, %reduce_sum3A_275 [1] : vector<128x1024xf32> to vector<128xf32>
    %broadcast_in_dim3A_277 = vector.shape_cast %reduce_sum3A_276 : vector<128xf32> to vector<128x1xf32>
    %slice3A_278 = vector.extract_strided_slice %slice3A_56 {offsets = [256, 0], sizes = [128, 1], strides = [1, 1]} : vector<1024x1xf32> to vector<128x1xf32>
    %sub3A_279 = arith.subf %broadcast_in_dim3A_277, %slice3A_278 : vector<128x1xf32>
    %slice3A_280 = vector.extract_strided_slice %iota3A_141 {offsets = [256, 0], sizes = [128, 1], strides = [1, 1]} : vector<1024x1xi32> to vector<128x1xi32>
    %lt3A_281 = arith.constant 1000 : i32
    %lt3A_282 = vector.broadcast %lt3A_281 : i32 to vector<128x1xi32>
    %lt3A_283 = arith.cmpi slt, %slice3A_280, %lt3A_282 : vector<128x1xi32>
    %jit3A_284 = arith.constant -1.000000e+00 : f32
    %broadcast_in_dim3A_285 = vector.broadcast %jit3A_284 : f32 to vector<128x1xf32>
    %select_n3A_286 = arith.select %lt3A_283, %sub3A_279, %broadcast_in_dim3A_285 : vector<128x1xi1>, vector<128x1xf32>
    %slice3A_287 = vector.extract_strided_slice %bitcast_convert_type3A_112 {offsets = [384, 0], sizes = [128, 1], strides = [1, 1]} : vector<1024x1xf32> to vector<128x1xf32>
    %slice3A_288 = vector.extract_strided_slice %bitcast_convert_type3A_127 {offsets = [384, 0], sizes = [128, 1], strides = [1, 1]} : vector<1024x1xf32> to vector<128x1xf32>
    %slice3A_289 = vector.extract_strided_slice %sub3A_133 {offsets = [384, 0], sizes = [128, 1], strides = [1, 1]} : vector<1024x1xf32> to vector<128x1xf32>
    %slice3A_290 = vector.extract_strided_slice %sub3A_140 {offsets = [384, 0], sizes = [128, 1], strides = [1, 1]} : vector<1024x1xf32> to vector<128x1xf32>
    %mul3A_291 = vector.broadcast %slice3A_287 : vector<128x1xf32> to vector<128x1024xf32>
    %mul3A_292 = vector.broadcast %bitcast_convert_type3A_20 : vector<1x1024xf32> to vector<128x1024xf32>
    %mul3A_293 = arith.mulf %mul3A_291, %mul3A_292 : vector<128x1024xf32>
    %mul3A_294 = vector.broadcast %slice3A_288 : vector<128x1xf32> to vector<128x1024xf32>
    %mul3A_295 = vector.broadcast %bitcast_convert_type3A_38 : vector<1x1024xf32> to vector<128x1024xf32>
    %mul3A_296 = arith.mulf %mul3A_294, %mul3A_295 : vector<128x1024xf32>
    %sub3A_297 = arith.subf %mul3A_293, %mul3A_296 : vector<128x1024xf32>
    %add3A_298 = vector.broadcast %slice3A_289 : vector<128x1xf32> to vector<128x1024xf32>
    %add3A_299 = arith.addf %sub3A_297, %add3A_298 : vector<128x1024xf32>
    %mul3A_300 = vector.broadcast %slice3A_288 : vector<128x1xf32> to vector<128x1024xf32>
    %mul3A_301 = vector.broadcast %bitcast_convert_type3A_20 : vector<1x1024xf32> to vector<128x1024xf32>
    %mul3A_302 = arith.mulf %mul3A_300, %mul3A_301 : vector<128x1024xf32>
    %mul3A_303 = vector.broadcast %slice3A_287 : vector<128x1xf32> to vector<128x1024xf32>
    %mul3A_304 = vector.broadcast %bitcast_convert_type3A_38 : vector<1x1024xf32> to vector<128x1024xf32>
    %mul3A_305 = arith.mulf %mul3A_303, %mul3A_304 : vector<128x1024xf32>
    %add3A_306 = arith.addf %mul3A_302, %mul3A_305 : vector<128x1024xf32>
    %add3A_307 = vector.broadcast %slice3A_290 : vector<128x1xf32> to vector<128x1024xf32>
    %add3A_308 = arith.addf %add3A_306, %add3A_307 : vector<128x1024xf32>
    %sub3A_309 = vector.broadcast %mul3A_41 : vector<1x1024xf32> to vector<128x1024xf32>
    %sub3A_310 = arith.subf %sub3A_309, %add3A_299 : vector<128x1024xf32>
    %sub3A_311 = vector.broadcast %mul3A_44 : vector<1x1024xf32> to vector<128x1024xf32>
    %sub3A_312 = arith.subf %sub3A_311, %add3A_308 : vector<128x1024xf32>
    %mul3A_313 = arith.mulf %sub3A_310, %sub3A_310 : vector<128x1024xf32>
    %mul3A_314 = arith.mulf %sub3A_312, %sub3A_312 : vector<128x1024xf32>
    %add3A_315 = arith.addf %mul3A_313, %mul3A_314 : vector<128x1024xf32>
    %le3A_316 = arith.constant 100.000008 : f32
    %le3A_317 = vector.broadcast %le3A_316 : f32 to vector<128x1024xf32>
    %le3A_318 = arith.cmpf ole, %add3A_315, %le3A_317 : vector<128x1024xf32>
    %jit3A_319 = arith.constant 0.000000e+00 : f32
    %broadcast_in_dim3A_320 = vector.shape_cast %select_n3A : vector<1x1024xf32> to vector<1x1024xf32>
    %broadcast_in_dim3A_321 = vector.broadcast %broadcast_in_dim3A_320 : vector<1x1024xf32> to vector<128x1024xf32>
    %broadcast_in_dim3A_322 = vector.broadcast %jit3A_319 : f32 to vector<128x1024xf32>
    %select_n3A_323 = arith.select %le3A_318, %broadcast_in_dim3A_321, %broadcast_in_dim3A_322 : vector<128x1024xi1>, vector<128x1024xf32>
    %reduce_sum3A_324 = arith.constant dense<0.000000e+00> : vector<128xf32>
    %reduce_sum3A_325 = vector.multi_reduction <add>, %select_n3A_323, %reduce_sum3A_324 [1] : vector<128x1024xf32> to vector<128xf32>
    %broadcast_in_dim3A_326 = vector.shape_cast %reduce_sum3A_325 : vector<128xf32> to vector<128x1xf32>
    %slice3A_327 = vector.extract_strided_slice %slice3A_56 {offsets = [384, 0], sizes = [128, 1], strides = [1, 1]} : vector<1024x1xf32> to vector<128x1xf32>
    %sub3A_328 = arith.subf %broadcast_in_dim3A_326, %slice3A_327 : vector<128x1xf32>
    %slice3A_329 = vector.extract_strided_slice %iota3A_141 {offsets = [384, 0], sizes = [128, 1], strides = [1, 1]} : vector<1024x1xi32> to vector<128x1xi32>
    %lt3A_330 = arith.constant 1000 : i32
    %lt3A_331 = vector.broadcast %lt3A_330 : i32 to vector<128x1xi32>
    %lt3A_332 = arith.cmpi slt, %slice3A_329, %lt3A_331 : vector<128x1xi32>
    %jit3A_333 = arith.constant -1.000000e+00 : f32
    %broadcast_in_dim3A_334 = vector.broadcast %jit3A_333 : f32 to vector<128x1xf32>
    %select_n3A_335 = arith.select %lt3A_332, %sub3A_328, %broadcast_in_dim3A_334 : vector<128x1xi1>, vector<128x1xf32>
    %slice3A_336 = vector.extract_strided_slice %bitcast_convert_type3A_112 {offsets = [512, 0], sizes = [128, 1], strides = [1, 1]} : vector<1024x1xf32> to vector<128x1xf32>
    %slice3A_337 = vector.extract_strided_slice %bitcast_convert_type3A_127 {offsets = [512, 0], sizes = [128, 1], strides = [1, 1]} : vector<1024x1xf32> to vector<128x1xf32>
    %slice3A_338 = vector.extract_strided_slice %sub3A_133 {offsets = [512, 0], sizes = [128, 1], strides = [1, 1]} : vector<1024x1xf32> to vector<128x1xf32>
    %slice3A_339 = vector.extract_strided_slice %sub3A_140 {offsets = [512, 0], sizes = [128, 1], strides = [1, 1]} : vector<1024x1xf32> to vector<128x1xf32>
    %mul3A_340 = vector.broadcast %slice3A_336 : vector<128x1xf32> to vector<128x1024xf32>
    %mul3A_341 = vector.broadcast %bitcast_convert_type3A_20 : vector<1x1024xf32> to vector<128x1024xf32>
    %mul3A_342 = arith.mulf %mul3A_340, %mul3A_341 : vector<128x1024xf32>
    %mul3A_343 = vector.broadcast %slice3A_337 : vector<128x1xf32> to vector<128x1024xf32>
    %mul3A_344 = vector.broadcast %bitcast_convert_type3A_38 : vector<1x1024xf32> to vector<128x1024xf32>
    %mul3A_345 = arith.mulf %mul3A_343, %mul3A_344 : vector<128x1024xf32>
    %sub3A_346 = arith.subf %mul3A_342, %mul3A_345 : vector<128x1024xf32>
    %add3A_347 = vector.broadcast %slice3A_338 : vector<128x1xf32> to vector<128x1024xf32>
    %add3A_348 = arith.addf %sub3A_346, %add3A_347 : vector<128x1024xf32>
    %mul3A_349 = vector.broadcast %slice3A_337 : vector<128x1xf32> to vector<128x1024xf32>
    %mul3A_350 = vector.broadcast %bitcast_convert_type3A_20 : vector<1x1024xf32> to vector<128x1024xf32>
    %mul3A_351 = arith.mulf %mul3A_349, %mul3A_350 : vector<128x1024xf32>
    %mul3A_352 = vector.broadcast %slice3A_336 : vector<128x1xf32> to vector<128x1024xf32>
    %mul3A_353 = vector.broadcast %bitcast_convert_type3A_38 : vector<1x1024xf32> to vector<128x1024xf32>
    %mul3A_354 = arith.mulf %mul3A_352, %mul3A_353 : vector<128x1024xf32>
    %add3A_355 = arith.addf %mul3A_351, %mul3A_354 : vector<128x1024xf32>
    %add3A_356 = vector.broadcast %slice3A_339 : vector<128x1xf32> to vector<128x1024xf32>
    %add3A_357 = arith.addf %add3A_355, %add3A_356 : vector<128x1024xf32>
    %sub3A_358 = vector.broadcast %mul3A_41 : vector<1x1024xf32> to vector<128x1024xf32>
    %sub3A_359 = arith.subf %sub3A_358, %add3A_348 : vector<128x1024xf32>
    %sub3A_360 = vector.broadcast %mul3A_44 : vector<1x1024xf32> to vector<128x1024xf32>
    %sub3A_361 = arith.subf %sub3A_360, %add3A_357 : vector<128x1024xf32>
    %mul3A_362 = arith.mulf %sub3A_359, %sub3A_359 : vector<128x1024xf32>
    %mul3A_363 = arith.mulf %sub3A_361, %sub3A_361 : vector<128x1024xf32>
    %add3A_364 = arith.addf %mul3A_362, %mul3A_363 : vector<128x1024xf32>
    %le3A_365 = arith.constant 100.000008 : f32
    %le3A_366 = vector.broadcast %le3A_365 : f32 to vector<128x1024xf32>
    %le3A_367 = arith.cmpf ole, %add3A_364, %le3A_366 : vector<128x1024xf32>
    %jit3A_368 = arith.constant 0.000000e+00 : f32
    %broadcast_in_dim3A_369 = vector.shape_cast %select_n3A : vector<1x1024xf32> to vector<1x1024xf32>
    %broadcast_in_dim3A_370 = vector.broadcast %broadcast_in_dim3A_369 : vector<1x1024xf32> to vector<128x1024xf32>
    %broadcast_in_dim3A_371 = vector.broadcast %jit3A_368 : f32 to vector<128x1024xf32>
    %select_n3A_372 = arith.select %le3A_367, %broadcast_in_dim3A_370, %broadcast_in_dim3A_371 : vector<128x1024xi1>, vector<128x1024xf32>
    %reduce_sum3A_373 = arith.constant dense<0.000000e+00> : vector<128xf32>
    %reduce_sum3A_374 = vector.multi_reduction <add>, %select_n3A_372, %reduce_sum3A_373 [1] : vector<128x1024xf32> to vector<128xf32>
    %broadcast_in_dim3A_375 = vector.shape_cast %reduce_sum3A_374 : vector<128xf32> to vector<128x1xf32>
    %slice3A_376 = vector.extract_strided_slice %slice3A_56 {offsets = [512, 0], sizes = [128, 1], strides = [1, 1]} : vector<1024x1xf32> to vector<128x1xf32>
    %sub3A_377 = arith.subf %broadcast_in_dim3A_375, %slice3A_376 : vector<128x1xf32>
    %slice3A_378 = vector.extract_strided_slice %iota3A_141 {offsets = [512, 0], sizes = [128, 1], strides = [1, 1]} : vector<1024x1xi32> to vector<128x1xi32>
    %lt3A_379 = arith.constant 1000 : i32
    %lt3A_380 = vector.broadcast %lt3A_379 : i32 to vector<128x1xi32>
    %lt3A_381 = arith.cmpi slt, %slice3A_378, %lt3A_380 : vector<128x1xi32>
    %jit3A_382 = arith.constant -1.000000e+00 : f32
    %broadcast_in_dim3A_383 = vector.broadcast %jit3A_382 : f32 to vector<128x1xf32>
    %select_n3A_384 = arith.select %lt3A_381, %sub3A_377, %broadcast_in_dim3A_383 : vector<128x1xi1>, vector<128x1xf32>
    %slice3A_385 = vector.extract_strided_slice %bitcast_convert_type3A_112 {offsets = [640, 0], sizes = [128, 1], strides = [1, 1]} : vector<1024x1xf32> to vector<128x1xf32>
    %slice3A_386 = vector.extract_strided_slice %bitcast_convert_type3A_127 {offsets = [640, 0], sizes = [128, 1], strides = [1, 1]} : vector<1024x1xf32> to vector<128x1xf32>
    %slice3A_387 = vector.extract_strided_slice %sub3A_133 {offsets = [640, 0], sizes = [128, 1], strides = [1, 1]} : vector<1024x1xf32> to vector<128x1xf32>
    %slice3A_388 = vector.extract_strided_slice %sub3A_140 {offsets = [640, 0], sizes = [128, 1], strides = [1, 1]} : vector<1024x1xf32> to vector<128x1xf32>
    %mul3A_389 = vector.broadcast %slice3A_385 : vector<128x1xf32> to vector<128x1024xf32>
    %mul3A_390 = vector.broadcast %bitcast_convert_type3A_20 : vector<1x1024xf32> to vector<128x1024xf32>
    %mul3A_391 = arith.mulf %mul3A_389, %mul3A_390 : vector<128x1024xf32>
    %mul3A_392 = vector.broadcast %slice3A_386 : vector<128x1xf32> to vector<128x1024xf32>
    %mul3A_393 = vector.broadcast %bitcast_convert_type3A_38 : vector<1x1024xf32> to vector<128x1024xf32>
    %mul3A_394 = arith.mulf %mul3A_392, %mul3A_393 : vector<128x1024xf32>
    %sub3A_395 = arith.subf %mul3A_391, %mul3A_394 : vector<128x1024xf32>
    %add3A_396 = vector.broadcast %slice3A_387 : vector<128x1xf32> to vector<128x1024xf32>
    %add3A_397 = arith.addf %sub3A_395, %add3A_396 : vector<128x1024xf32>
    %mul3A_398 = vector.broadcast %slice3A_386 : vector<128x1xf32> to vector<128x1024xf32>
    %mul3A_399 = vector.broadcast %bitcast_convert_type3A_20 : vector<1x1024xf32> to vector<128x1024xf32>
    %mul3A_400 = arith.mulf %mul3A_398, %mul3A_399 : vector<128x1024xf32>
    %mul3A_401 = vector.broadcast %slice3A_385 : vector<128x1xf32> to vector<128x1024xf32>
    %mul3A_402 = vector.broadcast %bitcast_convert_type3A_38 : vector<1x1024xf32> to vector<128x1024xf32>
    %mul3A_403 = arith.mulf %mul3A_401, %mul3A_402 : vector<128x1024xf32>
    %add3A_404 = arith.addf %mul3A_400, %mul3A_403 : vector<128x1024xf32>
    %add3A_405 = vector.broadcast %slice3A_388 : vector<128x1xf32> to vector<128x1024xf32>
    %add3A_406 = arith.addf %add3A_404, %add3A_405 : vector<128x1024xf32>
    %sub3A_407 = vector.broadcast %mul3A_41 : vector<1x1024xf32> to vector<128x1024xf32>
    %sub3A_408 = arith.subf %sub3A_407, %add3A_397 : vector<128x1024xf32>
    %sub3A_409 = vector.broadcast %mul3A_44 : vector<1x1024xf32> to vector<128x1024xf32>
    %sub3A_410 = arith.subf %sub3A_409, %add3A_406 : vector<128x1024xf32>
    %mul3A_411 = arith.mulf %sub3A_408, %sub3A_408 : vector<128x1024xf32>
    %mul3A_412 = arith.mulf %sub3A_410, %sub3A_410 : vector<128x1024xf32>
    %add3A_413 = arith.addf %mul3A_411, %mul3A_412 : vector<128x1024xf32>
    %le3A_414 = arith.constant 100.000008 : f32
    %le3A_415 = vector.broadcast %le3A_414 : f32 to vector<128x1024xf32>
    %le3A_416 = arith.cmpf ole, %add3A_413, %le3A_415 : vector<128x1024xf32>
    %jit3A_417 = arith.constant 0.000000e+00 : f32
    %broadcast_in_dim3A_418 = vector.shape_cast %select_n3A : vector<1x1024xf32> to vector<1x1024xf32>
    %broadcast_in_dim3A_419 = vector.broadcast %broadcast_in_dim3A_418 : vector<1x1024xf32> to vector<128x1024xf32>
    %broadcast_in_dim3A_420 = vector.broadcast %jit3A_417 : f32 to vector<128x1024xf32>
    %select_n3A_421 = arith.select %le3A_416, %broadcast_in_dim3A_419, %broadcast_in_dim3A_420 : vector<128x1024xi1>, vector<128x1024xf32>
    %reduce_sum3A_422 = arith.constant dense<0.000000e+00> : vector<128xf32>
    %reduce_sum3A_423 = vector.multi_reduction <add>, %select_n3A_421, %reduce_sum3A_422 [1] : vector<128x1024xf32> to vector<128xf32>
    %broadcast_in_dim3A_424 = vector.shape_cast %reduce_sum3A_423 : vector<128xf32> to vector<128x1xf32>
    %slice3A_425 = vector.extract_strided_slice %slice3A_56 {offsets = [640, 0], sizes = [128, 1], strides = [1, 1]} : vector<1024x1xf32> to vector<128x1xf32>
    %sub3A_426 = arith.subf %broadcast_in_dim3A_424, %slice3A_425 : vector<128x1xf32>
    %slice3A_427 = vector.extract_strided_slice %iota3A_141 {offsets = [640, 0], sizes = [128, 1], strides = [1, 1]} : vector<1024x1xi32> to vector<128x1xi32>
    %lt3A_428 = arith.constant 1000 : i32
    %lt3A_429 = vector.broadcast %lt3A_428 : i32 to vector<128x1xi32>
    %lt3A_430 = arith.cmpi slt, %slice3A_427, %lt3A_429 : vector<128x1xi32>
    %jit3A_431 = arith.constant -1.000000e+00 : f32
    %broadcast_in_dim3A_432 = vector.broadcast %jit3A_431 : f32 to vector<128x1xf32>
    %select_n3A_433 = arith.select %lt3A_430, %sub3A_426, %broadcast_in_dim3A_432 : vector<128x1xi1>, vector<128x1xf32>
    %slice3A_434 = vector.extract_strided_slice %bitcast_convert_type3A_112 {offsets = [768, 0], sizes = [128, 1], strides = [1, 1]} : vector<1024x1xf32> to vector<128x1xf32>
    %slice3A_435 = vector.extract_strided_slice %bitcast_convert_type3A_127 {offsets = [768, 0], sizes = [128, 1], strides = [1, 1]} : vector<1024x1xf32> to vector<128x1xf32>
    %slice3A_436 = vector.extract_strided_slice %sub3A_133 {offsets = [768, 0], sizes = [128, 1], strides = [1, 1]} : vector<1024x1xf32> to vector<128x1xf32>
    %slice3A_437 = vector.extract_strided_slice %sub3A_140 {offsets = [768, 0], sizes = [128, 1], strides = [1, 1]} : vector<1024x1xf32> to vector<128x1xf32>
    %mul3A_438 = vector.broadcast %slice3A_434 : vector<128x1xf32> to vector<128x1024xf32>
    %mul3A_439 = vector.broadcast %bitcast_convert_type3A_20 : vector<1x1024xf32> to vector<128x1024xf32>
    %mul3A_440 = arith.mulf %mul3A_438, %mul3A_439 : vector<128x1024xf32>
    %mul3A_441 = vector.broadcast %slice3A_435 : vector<128x1xf32> to vector<128x1024xf32>
    %mul3A_442 = vector.broadcast %bitcast_convert_type3A_38 : vector<1x1024xf32> to vector<128x1024xf32>
    %mul3A_443 = arith.mulf %mul3A_441, %mul3A_442 : vector<128x1024xf32>
    %sub3A_444 = arith.subf %mul3A_440, %mul3A_443 : vector<128x1024xf32>
    %add3A_445 = vector.broadcast %slice3A_436 : vector<128x1xf32> to vector<128x1024xf32>
    %add3A_446 = arith.addf %sub3A_444, %add3A_445 : vector<128x1024xf32>
    %mul3A_447 = vector.broadcast %slice3A_435 : vector<128x1xf32> to vector<128x1024xf32>
    %mul3A_448 = vector.broadcast %bitcast_convert_type3A_20 : vector<1x1024xf32> to vector<128x1024xf32>
    %mul3A_449 = arith.mulf %mul3A_447, %mul3A_448 : vector<128x1024xf32>
    %mul3A_450 = vector.broadcast %slice3A_434 : vector<128x1xf32> to vector<128x1024xf32>
    %mul3A_451 = vector.broadcast %bitcast_convert_type3A_38 : vector<1x1024xf32> to vector<128x1024xf32>
    %mul3A_452 = arith.mulf %mul3A_450, %mul3A_451 : vector<128x1024xf32>
    %add3A_453 = arith.addf %mul3A_449, %mul3A_452 : vector<128x1024xf32>
    %add3A_454 = vector.broadcast %slice3A_437 : vector<128x1xf32> to vector<128x1024xf32>
    %add3A_455 = arith.addf %add3A_453, %add3A_454 : vector<128x1024xf32>
    %sub3A_456 = vector.broadcast %mul3A_41 : vector<1x1024xf32> to vector<128x1024xf32>
    %sub3A_457 = arith.subf %sub3A_456, %add3A_446 : vector<128x1024xf32>
    %sub3A_458 = vector.broadcast %mul3A_44 : vector<1x1024xf32> to vector<128x1024xf32>
    %sub3A_459 = arith.subf %sub3A_458, %add3A_455 : vector<128x1024xf32>
    %mul3A_460 = arith.mulf %sub3A_457, %sub3A_457 : vector<128x1024xf32>
    %mul3A_461 = arith.mulf %sub3A_459, %sub3A_459 : vector<128x1024xf32>
    %add3A_462 = arith.addf %mul3A_460, %mul3A_461 : vector<128x1024xf32>
    %le3A_463 = arith.constant 100.000008 : f32
    %le3A_464 = vector.broadcast %le3A_463 : f32 to vector<128x1024xf32>
    %le3A_465 = arith.cmpf ole, %add3A_462, %le3A_464 : vector<128x1024xf32>
    %jit3A_466 = arith.constant 0.000000e+00 : f32
    %broadcast_in_dim3A_467 = vector.shape_cast %select_n3A : vector<1x1024xf32> to vector<1x1024xf32>
    %broadcast_in_dim3A_468 = vector.broadcast %broadcast_in_dim3A_467 : vector<1x1024xf32> to vector<128x1024xf32>
    %broadcast_in_dim3A_469 = vector.broadcast %jit3A_466 : f32 to vector<128x1024xf32>
    %select_n3A_470 = arith.select %le3A_465, %broadcast_in_dim3A_468, %broadcast_in_dim3A_469 : vector<128x1024xi1>, vector<128x1024xf32>
    %reduce_sum3A_471 = arith.constant dense<0.000000e+00> : vector<128xf32>
    %reduce_sum3A_472 = vector.multi_reduction <add>, %select_n3A_470, %reduce_sum3A_471 [1] : vector<128x1024xf32> to vector<128xf32>
    %broadcast_in_dim3A_473 = vector.shape_cast %reduce_sum3A_472 : vector<128xf32> to vector<128x1xf32>
    %slice3A_474 = vector.extract_strided_slice %slice3A_56 {offsets = [768, 0], sizes = [128, 1], strides = [1, 1]} : vector<1024x1xf32> to vector<128x1xf32>
    %sub3A_475 = arith.subf %broadcast_in_dim3A_473, %slice3A_474 : vector<128x1xf32>
    %slice3A_476 = vector.extract_strided_slice %iota3A_141 {offsets = [768, 0], sizes = [128, 1], strides = [1, 1]} : vector<1024x1xi32> to vector<128x1xi32>
    %lt3A_477 = arith.constant 1000 : i32
    %lt3A_478 = vector.broadcast %lt3A_477 : i32 to vector<128x1xi32>
    %lt3A_479 = arith.cmpi slt, %slice3A_476, %lt3A_478 : vector<128x1xi32>
    %jit3A_480 = arith.constant -1.000000e+00 : f32
    %broadcast_in_dim3A_481 = vector.broadcast %jit3A_480 : f32 to vector<128x1xf32>
    %select_n3A_482 = arith.select %lt3A_479, %sub3A_475, %broadcast_in_dim3A_481 : vector<128x1xi1>, vector<128x1xf32>
    %slice3A_483 = vector.extract_strided_slice %bitcast_convert_type3A_112 {offsets = [896, 0], sizes = [128, 1], strides = [1, 1]} : vector<1024x1xf32> to vector<128x1xf32>
    %slice3A_484 = vector.extract_strided_slice %bitcast_convert_type3A_127 {offsets = [896, 0], sizes = [128, 1], strides = [1, 1]} : vector<1024x1xf32> to vector<128x1xf32>
    %slice3A_485 = vector.extract_strided_slice %sub3A_133 {offsets = [896, 0], sizes = [128, 1], strides = [1, 1]} : vector<1024x1xf32> to vector<128x1xf32>
    %slice3A_486 = vector.extract_strided_slice %sub3A_140 {offsets = [896, 0], sizes = [128, 1], strides = [1, 1]} : vector<1024x1xf32> to vector<128x1xf32>
    %mul3A_487 = vector.broadcast %slice3A_483 : vector<128x1xf32> to vector<128x1024xf32>
    %mul3A_488 = vector.broadcast %bitcast_convert_type3A_20 : vector<1x1024xf32> to vector<128x1024xf32>
    %mul3A_489 = arith.mulf %mul3A_487, %mul3A_488 : vector<128x1024xf32>
    %mul3A_490 = vector.broadcast %slice3A_484 : vector<128x1xf32> to vector<128x1024xf32>
    %mul3A_491 = vector.broadcast %bitcast_convert_type3A_38 : vector<1x1024xf32> to vector<128x1024xf32>
    %mul3A_492 = arith.mulf %mul3A_490, %mul3A_491 : vector<128x1024xf32>
    %sub3A_493 = arith.subf %mul3A_489, %mul3A_492 : vector<128x1024xf32>
    %add3A_494 = vector.broadcast %slice3A_485 : vector<128x1xf32> to vector<128x1024xf32>
    %add3A_495 = arith.addf %sub3A_493, %add3A_494 : vector<128x1024xf32>
    %mul3A_496 = vector.broadcast %slice3A_484 : vector<128x1xf32> to vector<128x1024xf32>
    %mul3A_497 = vector.broadcast %bitcast_convert_type3A_20 : vector<1x1024xf32> to vector<128x1024xf32>
    %mul3A_498 = arith.mulf %mul3A_496, %mul3A_497 : vector<128x1024xf32>
    %mul3A_499 = vector.broadcast %slice3A_483 : vector<128x1xf32> to vector<128x1024xf32>
    %mul3A_500 = vector.broadcast %bitcast_convert_type3A_38 : vector<1x1024xf32> to vector<128x1024xf32>
    %mul3A_501 = arith.mulf %mul3A_499, %mul3A_500 : vector<128x1024xf32>
    %add3A_502 = arith.addf %mul3A_498, %mul3A_501 : vector<128x1024xf32>
    %add3A_503 = vector.broadcast %slice3A_486 : vector<128x1xf32> to vector<128x1024xf32>
    %add3A_504 = arith.addf %add3A_502, %add3A_503 : vector<128x1024xf32>
    %sub3A_505 = vector.broadcast %mul3A_41 : vector<1x1024xf32> to vector<128x1024xf32>
    %sub3A_506 = arith.subf %sub3A_505, %add3A_495 : vector<128x1024xf32>
    %sub3A_507 = vector.broadcast %mul3A_44 : vector<1x1024xf32> to vector<128x1024xf32>
    %sub3A_508 = arith.subf %sub3A_507, %add3A_504 : vector<128x1024xf32>
    %mul3A_509 = arith.mulf %sub3A_506, %sub3A_506 : vector<128x1024xf32>
    %mul3A_510 = arith.mulf %sub3A_508, %sub3A_508 : vector<128x1024xf32>
    %add3A_511 = arith.addf %mul3A_509, %mul3A_510 : vector<128x1024xf32>
    %le3A_512 = arith.constant 100.000008 : f32
    %le3A_513 = vector.broadcast %le3A_512 : f32 to vector<128x1024xf32>
    %le3A_514 = arith.cmpf ole, %add3A_511, %le3A_513 : vector<128x1024xf32>
    %jit3A_515 = arith.constant 0.000000e+00 : f32
    %broadcast_in_dim3A_516 = vector.shape_cast %select_n3A : vector<1x1024xf32> to vector<1x1024xf32>
    %broadcast_in_dim3A_517 = vector.broadcast %broadcast_in_dim3A_516 : vector<1x1024xf32> to vector<128x1024xf32>
    %broadcast_in_dim3A_518 = vector.broadcast %jit3A_515 : f32 to vector<128x1024xf32>
    %select_n3A_519 = arith.select %le3A_514, %broadcast_in_dim3A_517, %broadcast_in_dim3A_518 : vector<128x1024xi1>, vector<128x1024xf32>
    %reduce_sum3A_520 = arith.constant dense<0.000000e+00> : vector<128xf32>
    %reduce_sum3A_521 = vector.multi_reduction <add>, %select_n3A_519, %reduce_sum3A_520 [1] : vector<128x1024xf32> to vector<128xf32>
    %broadcast_in_dim3A_522 = vector.shape_cast %reduce_sum3A_521 : vector<128xf32> to vector<128x1xf32>
    %slice3A_523 = vector.extract_strided_slice %slice3A_56 {offsets = [896, 0], sizes = [128, 1], strides = [1, 1]} : vector<1024x1xf32> to vector<128x1xf32>
    %sub3A_524 = arith.subf %broadcast_in_dim3A_522, %slice3A_523 : vector<128x1xf32>
    %slice3A_525 = vector.extract_strided_slice %iota3A_141 {offsets = [896, 0], sizes = [128, 1], strides = [1, 1]} : vector<1024x1xi32> to vector<128x1xi32>
    %lt3A_526 = arith.constant 1000 : i32
    %lt3A_527 = vector.broadcast %lt3A_526 : i32 to vector<128x1xi32>
    %lt3A_528 = arith.cmpi slt, %slice3A_525, %lt3A_527 : vector<128x1xi32>
    %jit3A_529 = arith.constant -1.000000e+00 : f32
    %broadcast_in_dim3A_530 = vector.broadcast %jit3A_529 : f32 to vector<128x1xf32>
    %select_n3A_531 = arith.select %lt3A_528, %sub3A_524, %broadcast_in_dim3A_530 : vector<128x1xi1>, vector<128x1xf32>
    %concatenate3A = tpu.concatenate %select_n3A_188, %select_n3A_237, %select_n3A_286, %select_n3A_335, %select_n3A_384, %select_n3A_433, %select_n3A_482, %select_n3A_531 in 1 : vector<128x1xf32>, vector<128x1xf32>, vector<128x1xf32>, vector<128x1xf32>, vector<128x1xf32>, vector<128x1xf32>, vector<128x1xf32>, vector<128x1xf32> -> vector<128x8xf32>
    %reduce_max3A = vector.shape_cast %concatenate3A : vector<128x8xf32> to vector<1x128x8xf32>
    %reduce_max3A_532 = arith.constant dense<0xFF800000> : vector<1xf32>
    %reduce_max3A_533 = vector.multi_reduction <maximumf>, %reduce_max3A, %reduce_max3A_532 [1, 2] : vector<1x128x8xf32> to vector<1xf32>
    %reduce_max3A_534 = vector.shape_cast %reduce_max3A_533 : vector<1xf32> to vector<1x1x1xf32>
    %reduce_max3A_535 = vector.extract %reduce_max3A_534[0, 0, 0] : f32 from vector<1x1x1xf32>
    %iota3A_536 = tpu.iota {dimensions = array<i32: 0>} : vector<128x8xi32>
    %iota3A_537 = tpu.iota {dimensions = array<i32: 1>} : vector<128x8xi32>
    %mul3A_538 = arith.constant 128 : i32
    %mul3A_539 = vector.broadcast %mul3A_538 : i32 to vector<128x8xi32>
    %mul3A_540 = arith.muli %iota3A_537, %mul3A_539 : vector<128x8xi32>
    %add3A_541 = arith.addi %mul3A_540, %iota3A_536 : vector<128x8xi32>
    %eq3A = vector.broadcast %reduce_max3A_535 : f32 to vector<128x8xf32>
    %eq3A_542 = arith.cmpf oeq, %concatenate3A, %eq3A : vector<128x8xf32>
    %jit3A_543 = arith.constant 1073741824 : i32
    %broadcast_in_dim3A_544 = vector.broadcast %jit3A_543 : i32 to vector<128x8xi32>
    %select_n3A_545 = arith.select %eq3A_542, %add3A_541, %broadcast_in_dim3A_544 : vector<128x8xi1>, vector<128x8xi32>
    %reduce_min3A = vector.shape_cast %select_n3A_545 : vector<128x8xi32> to vector<1x128x8xi32>
    %reduce_min3A_546 = arith.constant dense<2147483647> : vector<1xi32>
    %reduce_min3A_547 = vector.multi_reduction <minsi>, %reduce_min3A, %reduce_min3A_546 [1, 2] : vector<1x128x8xi32> to vector<1xi32>
    %reduce_min3A_548 = vector.shape_cast %reduce_min3A_547 : vector<1xi32> to vector<1x1x1xi32>
    %reduce_min3A_549 = vector.extract %reduce_min3A_548[0, 0, 0] : i32 from vector<1x1x1xi32>
    %eq3A_550 = vector.broadcast %reduce_min3A_549 : i32 to vector<1024x1xi32>
    %eq3A_551 = arith.cmpi eq, %iota3A_141, %eq3A_550 : vector<1024x1xi32>
    %jit3A_552 = arith.constant 0.000000e+00 : f32
    %broadcast_in_dim3A_553 = vector.broadcast %jit3A_552 : f32 to vector<1024x1xf32>
    %select_n3A_554 = arith.select %eq3A_551, %mul3A_96, %broadcast_in_dim3A_553 : vector<1024x1xi1>, vector<1024x1xf32>
    %reduce_sum3A_555 = vector.shape_cast %select_n3A_554 : vector<1024x1xf32> to vector<1x1024x1xf32>
    %reduce_sum3A_556 = arith.constant dense<0.000000e+00> : vector<1xf32>
    %reduce_sum3A_557 = vector.multi_reduction <add>, %reduce_sum3A_555, %reduce_sum3A_556 [1, 2] : vector<1x1024x1xf32> to vector<1xf32>
    %reduce_sum3A_558 = vector.shape_cast %reduce_sum3A_557 : vector<1xf32> to vector<1x1x1xf32>
    %reduce_sum3A_559 = vector.extract %reduce_sum3A_558[0, 0, 0] : f32 from vector<1x1x1xf32>
    %jit3A_560 = arith.constant 0.000000e+00 : f32
    %broadcast_in_dim3A_561 = vector.broadcast %jit3A_560 : f32 to vector<1024x1xf32>
    %select_n3A_562 = arith.select %eq3A_551, %mul3A_97, %broadcast_in_dim3A_561 : vector<1024x1xi1>, vector<1024x1xf32>
    %reduce_sum3A_563 = vector.shape_cast %select_n3A_562 : vector<1024x1xf32> to vector<1x1024x1xf32>
    %reduce_sum3A_564 = arith.constant dense<0.000000e+00> : vector<1xf32>
    %reduce_sum3A_565 = vector.multi_reduction <add>, %reduce_sum3A_563, %reduce_sum3A_564 [1, 2] : vector<1x1024x1xf32> to vector<1xf32>
    %reduce_sum3A_566 = vector.shape_cast %reduce_sum3A_565 : vector<1xf32> to vector<1x1x1xf32>
    %reduce_sum3A_567 = vector.extract %reduce_sum3A_566[0, 0, 0] : f32 from vector<1x1x1xf32>
    %jit3A_568 = arith.constant 0.000000e+00 : f32
    %broadcast_in_dim3A_569 = vector.broadcast %jit3A_568 : f32 to vector<1024x1xf32>
    %select_n3A_570 = arith.select %eq3A_551, %bitcast_convert_type3A_112, %broadcast_in_dim3A_569 : vector<1024x1xi1>, vector<1024x1xf32>
    %reduce_sum3A_571 = vector.shape_cast %select_n3A_570 : vector<1024x1xf32> to vector<1x1024x1xf32>
    %reduce_sum3A_572 = arith.constant dense<0.000000e+00> : vector<1xf32>
    %reduce_sum3A_573 = vector.multi_reduction <add>, %reduce_sum3A_571, %reduce_sum3A_572 [1, 2] : vector<1x1024x1xf32> to vector<1xf32>
    %reduce_sum3A_574 = vector.shape_cast %reduce_sum3A_573 : vector<1xf32> to vector<1x1x1xf32>
    %reduce_sum3A_575 = vector.extract %reduce_sum3A_574[0, 0, 0] : f32 from vector<1x1x1xf32>
    %jit3A_576 = arith.constant 0.000000e+00 : f32
    %broadcast_in_dim3A_577 = vector.broadcast %jit3A_576 : f32 to vector<1024x1xf32>
    %select_n3A_578 = arith.select %eq3A_551, %bitcast_convert_type3A_127, %broadcast_in_dim3A_577 : vector<1024x1xi1>, vector<1024x1xf32>
    %reduce_sum3A_579 = vector.shape_cast %select_n3A_578 : vector<1024x1xf32> to vector<1x1024x1xf32>
    %reduce_sum3A_580 = arith.constant dense<0.000000e+00> : vector<1xf32>
    %reduce_sum3A_581 = vector.multi_reduction <add>, %reduce_sum3A_579, %reduce_sum3A_580 [1, 2] : vector<1x1024x1xf32> to vector<1xf32>
    %reduce_sum3A_582 = vector.shape_cast %reduce_sum3A_581 : vector<1xf32> to vector<1x1x1xf32>
    %reduce_sum3A_583 = vector.extract %reduce_sum3A_582[0, 0, 0] : f32 from vector<1x1x1xf32>
    %jit3A_584 = arith.constant 0.000000e+00 : f32
    %broadcast_in_dim3A_585 = vector.broadcast %jit3A_584 : f32 to vector<1024x1xf32>
    %select_n3A_586 = arith.select %eq3A_551, %sub3A_133, %broadcast_in_dim3A_585 : vector<1024x1xi1>, vector<1024x1xf32>
    %reduce_sum3A_587 = vector.shape_cast %select_n3A_586 : vector<1024x1xf32> to vector<1x1024x1xf32>
    %reduce_sum3A_588 = arith.constant dense<0.000000e+00> : vector<1xf32>
    %reduce_sum3A_589 = vector.multi_reduction <add>, %reduce_sum3A_587, %reduce_sum3A_588 [1, 2] : vector<1x1024x1xf32> to vector<1xf32>
    %reduce_sum3A_590 = vector.shape_cast %reduce_sum3A_589 : vector<1xf32> to vector<1x1x1xf32>
    %reduce_sum3A_591 = vector.extract %reduce_sum3A_590[0, 0, 0] : f32 from vector<1x1x1xf32>
    %jit3A_592 = arith.constant 0.000000e+00 : f32
    %broadcast_in_dim3A_593 = vector.broadcast %jit3A_592 : f32 to vector<1024x1xf32>
    %select_n3A_594 = arith.select %eq3A_551, %sub3A_140, %broadcast_in_dim3A_593 : vector<1024x1xi1>, vector<1024x1xf32>
    %reduce_sum3A_595 = vector.shape_cast %select_n3A_594 : vector<1024x1xf32> to vector<1x1024x1xf32>
    %reduce_sum3A_596 = arith.constant dense<0.000000e+00> : vector<1xf32>
    %reduce_sum3A_597 = vector.multi_reduction <add>, %reduce_sum3A_595, %reduce_sum3A_596 [1, 2] : vector<1x1024x1xf32> to vector<1xf32>
    %reduce_sum3A_598 = vector.shape_cast %reduce_sum3A_597 : vector<1xf32> to vector<1x1x1xf32>
    %reduce_sum3A_599 = vector.extract %reduce_sum3A_598[0, 0, 0] : f32 from vector<1x1x1xf32>
    %mul3A_600 = vector.broadcast %reduce_sum3A_575 : f32 to vector<1x1024xf32>
    %mul3A_601 = arith.mulf %mul3A_600, %bitcast_convert_type3A_20 : vector<1x1024xf32>
    %mul3A_602 = vector.broadcast %reduce_sum3A_583 : f32 to vector<1x1024xf32>
    %mul3A_603 = arith.mulf %mul3A_602, %bitcast_convert_type3A_38 : vector<1x1024xf32>
    %sub3A_604 = arith.subf %mul3A_601, %mul3A_603 : vector<1x1024xf32>
    %add3A_605 = vector.broadcast %reduce_sum3A_591 : f32 to vector<1x1024xf32>
    %add3A_606 = arith.addf %sub3A_604, %add3A_605 : vector<1x1024xf32>
    %mul3A_607 = vector.broadcast %reduce_sum3A_583 : f32 to vector<1x1024xf32>
    %mul3A_608 = arith.mulf %mul3A_607, %bitcast_convert_type3A_20 : vector<1x1024xf32>
    %mul3A_609 = vector.broadcast %reduce_sum3A_575 : f32 to vector<1x1024xf32>
    %mul3A_610 = arith.mulf %mul3A_609, %bitcast_convert_type3A_38 : vector<1x1024xf32>
    %add3A_611 = arith.addf %mul3A_608, %mul3A_610 : vector<1x1024xf32>
    %add3A_612 = vector.broadcast %reduce_sum3A_599 : f32 to vector<1x1024xf32>
    %add3A_613 = arith.addf %add3A_611, %add3A_612 : vector<1x1024xf32>
    %sub3A_614 = arith.subf %mul3A_41, %add3A_606 : vector<1x1024xf32>
    %sub3A_615 = arith.subf %mul3A_44, %add3A_613 : vector<1x1024xf32>
    %mul3A_616 = arith.mulf %sub3A_614, %sub3A_614 : vector<1x1024xf32>
    %mul3A_617 = arith.mulf %sub3A_615, %sub3A_615 : vector<1x1024xf32>
    %add3A_618 = arith.addf %mul3A_616, %mul3A_617 : vector<1x1024xf32>
    %le3A_619 = arith.constant 100.000008 : f32
    %le3A_620 = vector.broadcast %le3A_619 : f32 to vector<1x1024xf32>
    %le3A_621 = arith.cmpf ole, %add3A_618, %le3A_620 : vector<1x1024xf32>
    %lt3A_622 = arith.constant 1000 : i32
    %lt3A_623 = vector.broadcast %lt3A_622 : i32 to vector<1x1024xi32>
    %lt3A_624 = arith.cmpi slt, %iota3A, %lt3A_623 : vector<1x1024xi32>
    %and3A_625 = arith.andi %le3A_621, %lt3A_624 : vector<1x1024xi1>
    %ne3A = vector.broadcast %reduce_min3A_549 : i32 to vector<1x1024xi32>
    %ne3A_626 = arith.cmpi ne, %iota3A, %ne3A : vector<1x1024xi32>
    %and3A_627 = arith.andi %and3A_625, %ne3A_626 : vector<1x1024xi1>
    %convert_element_type3A = arith.extui %and3A_627 : vector<1x1024xi1> to vector<1x1024xi32>
    %swap3A = arith.constant 0 : index
    %swap3A_628 = arith.constant 0 : index
    %swap3A_629 = arith.constant 0 : index
    %swap3A_630 = vector.load %arg4[%swap3A, %swap3A_628, %swap3A_629] : memref<1x1x1024xi32, #tpu.memory_space<vmem>>, vector<1x1x1024xi32>
    %swap3A_631 = vector.shape_cast %swap3A_630 : vector<1x1x1024xi32> to vector<1x1024xi32>
    %swap3A_632 = vector.shape_cast %convert_element_type3A : vector<1x1024xi32> to vector<1x1x1024xi32>
    tpu.vector_store %arg4[%swap3A, %swap3A_628, %swap3A_629], %swap3A_632 {strides = array<i32>} : memref<1x1x1024xi32, #tpu.memory_space<vmem>>, vector<1x1x1024xi32>,
    %iota3A_633 = tpu.iota {dimensions = array<i32: 0>} : vector<8x128xi32>
    %iota3A_634 = tpu.iota {dimensions = array<i32: 1>} : vector<8x128xi32>
    %eq3A_635 = arith.constant 2 : i32
    %eq3A_636 = vector.broadcast %eq3A_635 : i32 to vector<8x128xi32>
    %eq3A_637 = arith.cmpi eq, %iota3A_633, %eq3A_636 : vector<8x128xi32>
    %eq3A_638 = arith.constant 2 : i32
    %eq3A_639 = vector.broadcast %eq3A_638 : i32 to vector<8x128xi32>
    %eq3A_640 = arith.cmpi eq, %iota3A_634, %eq3A_639 : vector<8x128xi32>
    %and3A_641 = arith.andi %eq3A_637, %eq3A_640 : vector<8x128xi1>
    %jit3A_642 = arith.constant 1.000000e+00 : f32
    %jit3A_643 = arith.constant 0.000000e+00 : f32
    %broadcast_in_dim3A_644 = vector.broadcast %jit3A_642 : f32 to vector<8x128xf32>
    %broadcast_in_dim3A_645 = vector.broadcast %jit3A_643 : f32 to vector<8x128xf32>
    %select_n3A_646 = arith.select %and3A_641, %broadcast_in_dim3A_644, %broadcast_in_dim3A_645 : vector<8x128xi1>, vector<8x128xf32>
    %eq3A_647 = arith.constant 0 : i32
    %eq3A_648 = vector.broadcast %eq3A_647 : i32 to vector<8x128xi32>
    %eq3A_649 = arith.cmpi eq, %iota3A_633, %eq3A_648 : vector<8x128xi32>
    %eq3A_650 = arith.constant 0 : i32
    %eq3A_651 = vector.broadcast %eq3A_650 : i32 to vector<8x128xi32>
    %eq3A_652 = arith.cmpi eq, %iota3A_634, %eq3A_651 : vector<8x128xi32>
    %and3A_653 = arith.andi %eq3A_649, %eq3A_652 : vector<8x128xi1>
    %broadcast_in_dim3A_654 = vector.broadcast %reduce_sum3A_559 : f32 to vector<8x128xf32>
    %select_n3A_655 = arith.select %and3A_653, %broadcast_in_dim3A_654, %select_n3A_646 : vector<8x128xi1>, vector<8x128xf32>
    %eq3A_656 = arith.constant 0 : i32
    %eq3A_657 = vector.broadcast %eq3A_656 : i32 to vector<8x128xi32>
    %eq3A_658 = arith.cmpi eq, %iota3A_633, %eq3A_657 : vector<8x128xi32>
    %eq3A_659 = arith.constant 1 : i32
    %eq3A_660 = vector.broadcast %eq3A_659 : i32 to vector<8x128xi32>
    %eq3A_661 = arith.cmpi eq, %iota3A_634, %eq3A_660 : vector<8x128xi32>
    %and3A_662 = arith.andi %eq3A_658, %eq3A_661 : vector<8x128xi1>
    %neg3A = arith.constant 0.000000e+00 : f32
    %neg3A_663 = arith.subf %neg3A, %reduce_sum3A_567 : f32
    %broadcast_in_dim3A_664 = vector.broadcast %neg3A_663 : f32 to vector<8x128xf32>
    %select_n3A_665 = arith.select %and3A_662, %broadcast_in_dim3A_664, %select_n3A_655 : vector<8x128xi1>, vector<8x128xf32>
    %eq3A_666 = arith.constant 0 : i32
    %eq3A_667 = vector.broadcast %eq3A_666 : i32 to vector<8x128xi32>
    %eq3A_668 = arith.cmpi eq, %iota3A_633, %eq3A_667 : vector<8x128xi32>
    %eq3A_669 = arith.constant 2 : i32
    %eq3A_670 = vector.broadcast %eq3A_669 : i32 to vector<8x128xi32>
    %eq3A_671 = arith.cmpi eq, %iota3A_634, %eq3A_670 : vector<8x128xi32>
    %and3A_672 = arith.andi %eq3A_668, %eq3A_671 : vector<8x128xi1>
    %broadcast_in_dim3A_673 = vector.broadcast %reduce_sum3A_591 : f32 to vector<8x128xf32>
    %select_n3A_674 = arith.select %and3A_672, %broadcast_in_dim3A_673, %select_n3A_665 : vector<8x128xi1>, vector<8x128xf32>
    %eq3A_675 = arith.constant 0 : i32
    %eq3A_676 = vector.broadcast %eq3A_675 : i32 to vector<8x128xi32>
    %eq3A_677 = arith.cmpi eq, %iota3A_633, %eq3A_676 : vector<8x128xi32>
    %eq3A_678 = arith.constant 3 : i32
    %eq3A_679 = vector.broadcast %eq3A_678 : i32 to vector<8x128xi32>
    %eq3A_680 = arith.cmpi eq, %iota3A_634, %eq3A_679 : vector<8x128xi32>
    %and3A_681 = arith.andi %eq3A_677, %eq3A_680 : vector<8x128xi1>
    %broadcast_in_dim3A_682 = vector.broadcast %reduce_max3A_535 : f32 to vector<8x128xf32>
    %select_n3A_683 = arith.select %and3A_681, %broadcast_in_dim3A_682, %select_n3A_674 : vector<8x128xi1>, vector<8x128xf32>
    %eq3A_684 = arith.constant 1 : i32
    %eq3A_685 = vector.broadcast %eq3A_684 : i32 to vector<8x128xi32>
    %eq3A_686 = arith.cmpi eq, %iota3A_633, %eq3A_685 : vector<8x128xi32>
    %eq3A_687 = arith.constant 0 : i32
    %eq3A_688 = vector.broadcast %eq3A_687 : i32 to vector<8x128xi32>
    %eq3A_689 = arith.cmpi eq, %iota3A_634, %eq3A_688 : vector<8x128xi32>
    %and3A_690 = arith.andi %eq3A_686, %eq3A_689 : vector<8x128xi1>
    %broadcast_in_dim3A_691 = vector.broadcast %reduce_sum3A_567 : f32 to vector<8x128xf32>
    %select_n3A_692 = arith.select %and3A_690, %broadcast_in_dim3A_691, %select_n3A_683 : vector<8x128xi1>, vector<8x128xf32>
    %eq3A_693 = arith.constant 1 : i32
    %eq3A_694 = vector.broadcast %eq3A_693 : i32 to vector<8x128xi32>
    %eq3A_695 = arith.cmpi eq, %iota3A_633, %eq3A_694 : vector<8x128xi32>
    %eq3A_696 = arith.constant 1 : i32
    %eq3A_697 = vector.broadcast %eq3A_696 : i32 to vector<8x128xi32>
    %eq3A_698 = arith.cmpi eq, %iota3A_634, %eq3A_697 : vector<8x128xi32>
    %and3A_699 = arith.andi %eq3A_695, %eq3A_698 : vector<8x128xi1>
    %broadcast_in_dim3A_700 = vector.broadcast %reduce_sum3A_559 : f32 to vector<8x128xf32>
    %select_n3A_701 = arith.select %and3A_699, %broadcast_in_dim3A_700, %select_n3A_692 : vector<8x128xi1>, vector<8x128xf32>
    %eq3A_702 = arith.constant 1 : i32
    %eq3A_703 = vector.broadcast %eq3A_702 : i32 to vector<8x128xi32>
    %eq3A_704 = arith.cmpi eq, %iota3A_633, %eq3A_703 : vector<8x128xi32>
    %eq3A_705 = arith.constant 2 : i32
    %eq3A_706 = vector.broadcast %eq3A_705 : i32 to vector<8x128xi32>
    %eq3A_707 = arith.cmpi eq, %iota3A_634, %eq3A_706 : vector<8x128xi32>
    %and3A_708 = arith.andi %eq3A_704, %eq3A_707 : vector<8x128xi1>
    %broadcast_in_dim3A_709 = vector.broadcast %reduce_sum3A_599 : f32 to vector<8x128xf32>
    %select_n3A_710 = arith.select %and3A_708, %broadcast_in_dim3A_709, %select_n3A_701 : vector<8x128xi1>, vector<8x128xf32>
    %swap3A_711 = arith.constant 0 : index
    %swap3A_712 = arith.constant 0 : index
    %swap3A_713 = arith.constant 0 : index
    %swap3A_714 = vector.load %arg3[%swap3A_711, %swap3A_712, %swap3A_713] : memref<1x8x128xf32, #tpu.memory_space<vmem>>, vector<1x8x128xf32>
    %swap3A_715 = vector.shape_cast %swap3A_714 : vector<1x8x128xf32> to vector<8x128xf32>
    %swap3A_716 = vector.shape_cast %select_n3A_710 : vector<8x128xf32> to vector<1x8x128xf32>
    tpu.vector_store %arg3[%swap3A_711, %swap3A_712, %swap3A_713], %swap3A_716 {strides = array<i32>} : memref<1x8x128xf32, #tpu.memory_space<vmem>>, vector<1x8x128xf32>,
    return
  }
  func.func @transform_0(%arg0: i32) -> (i32, i32, i32) {
    %c0_i32 = arith.constant 0 : i32
    %c0_i32_0 = arith.constant 0 : i32
    %c0_i32_1 = arith.constant 0 : i32
    return %arg0, %c0_i32, %c0_i32_0 : i32, i32, i32
  }
  func.func @transform_1(%arg0: i32) -> (i32, i32, i32) {
    %c0_i32 = arith.constant 0 : i32
    %c0_i32_0 = arith.constant 0 : i32
    %c0_i32_1 = arith.constant 0 : i32
    return %arg0, %c0_i32, %c0_i32_0 : i32, i32, i32
  }
  func.func @transform_2(%arg0: i32) -> (i32, i32, i32) {
    %c0_i32 = arith.constant 0 : i32
    %c0_i32_0 = arith.constant 0 : i32
    %c0_i32_1 = arith.constant 0 : i32
    return %arg0, %c0_i32, %c0_i32_0 : i32, i32, i32
  }
  func.func @transform_3(%arg0: i32) -> (i32, i32, i32) {
    %c0_i32 = arith.constant 0 : i32
    %c0_i32_0 = arith.constant 0 : i32
    %c0_i32_1 = arith.constant 0 : i32
    return %arg0, %c0_i32, %c0_i32_0 : i32, i32, i32
  }
}

</mosaic_0001>

<sc_bundles>
// kernel: kernel.4.cloned.1.call-start
scs
__scs_entry_jumppad:
0x0: {  	(pc) =	sbr.rel $0x88, $3  }
0x1: {  	(tag) =	ssettag $0x0;
	lr =	simm.s32 $0x1  }
0x2: {  	[smem:$0x3F9C] =	sst lr;
	_ =	strace $0xD0000000  }
0x3: {  	_ = 	snop  }
0x4: {  	_ = 	snop  }
0x5: {  	_ = 	snop  }
0x6: {  	_ = 	snop  }
0x7: {  	_ = 	snop  }
__scs_overlays_trampoline_lowered:
0x8: {  	[smem:$0x3FAB] =	sst s0  }
0x9: {  	[smem:$0x3FAC] =	sst s1  }
0xa: {  	[smem:$0x3FAD] =	sst s2  }
0xb: {  	[smem:$0x3FAE] =	sst s3  }
0xc: {  	[smem:$0x3FAF] =	sst s4  }
0xd: {  	[smem:$0x3FB0] =	sst s5  }
0xe: {  	[smem:$0x3FB1] =	sst s6  }
0xf: {  	[smem:$0x3FB2] =	sst s7  }
0x10: {  	[smem:$0x3FB3] =	sst s8  }
0x11: {  	[smem:$0x3FB4] =	sst s9;
	s0 =	simm.s32 @!p0 $0x0  }
0x12: {  	s1 =	sld [smem:$0x3F9A];
	s0 =	simm.s32 @p0 $0x1  }
0x13: {  	[smem:$0x3FB5] =	sst s0;
	s0 =	simm.s32 @!p1 $0x0  }
0x14: {  	s2 =	sld [smem:$0x3F99];
	s0 =	simm.s32 @p1 $0x1  }
0x15: {  	[smem:$0x3FB6] =	sst s0;
	s0 =	simm.s32 @!p2 $0x0  }
0x16: {  	s3 =	sld [smem:$0x3FDB];
	s0 =	simm.s32 @p2 $0x1  }
0x17: {  	s4 =	simm.s32 $0x1BF5;
	[smem:$0x3FB8] =	sst s0  }
0x18: {  	s0 =	sld [smem:$0x3F9B];
	_ =	swait.ge [sflag:s4], $0x0  }
0x19: {  	s7 =	sld [smem:$0x3F9C]  }
0x1a: {  	s8 =	sadd.s32 $0xFFFFE003, lr  }
0x1b: {  	s9 =	sadd.s32 $0xFFFFFEF7, lr;
	s5 =	simm.s32 $0xFFFFFFFF;
	p2 =	slt.u32 s8, $0xFFFFF086  }
0x1c: {  	p1 =	slt.u32 s9, $0xF7A;
	s5 =	simm.s32 @!p2 $0x0  }
0x1d: {  	s5 =	simm.s32 @p1 $0x1;
	p0 =	seq.s32 s7, s2  }
0x1e: {  	s7 =	smul.u32 @!p0 $0xF7A, s2;
	p2 =	seq.s32 @!p0 s5, $0x0  }
0x1f: {  	s9 =	smul.u32 $0xF7A, s1;
	s8 =	simm.s32 @!p0 $0x1BF5;
	p2 =	por !p2, p0  }
0x20: {  	[sflag:s8] =	ssyncset.s32 @!p0 $0xFFFFF086;
	s6 =	sadd.s32 @!p0 s3, s7;
	s7 =	simm.s32 @!p0 $0x108  }
0x21: {  	s3 =	sadd.s32 s3, s9;
	s6 =	sadd.s32 @!p0 $0x88, s6;
	s7 =	simm.s32 @p2 $0x1082  }
0x22: {  	[simem:s7], [sflag:s8] =	dma.local @!p0 [hbm:s6], $0xF7A  }
0x23: {  	s9 =	sor.u32 $0xD0000000, s2;
	s6 =	simm.s32 $0x108;
	_ =	swait.ge @!p0 [sflag:s8], $0x0  }
0x24: {  	s3 =	sadd.s32 $0x88, s3;
	s6 =	simm.s32 @!p1 $0x1082;
	[sflag:s4] =	ssyncset.s32 $0xFFFFF086  }
0x25: {  	[simem:s6], [sflag:s4] =	dma.local [hbm:s3], $0xF7A  }
0x26: {  	[smem:$0x3F9C] =	sst s1;
	(tag) =	ssettag s2;
	_ =	strace s9  }
0x27: {  	s1 =	sld [smem:$0x3FAC]  }
0x28: {  	s2 =	sld [smem:$0x3FAD]  }
0x29: {  	s4 =	sld [smem:$0x3FAF]  }
0x2a: {  	p0 =	seq.s32 s5, $0x0;
	s5 =	sld [smem:$0x3FB0]  }
0x2b: {  	s6 =	sld [smem:$0x3FB1]  }
0x2c: {  	s7 =	sld [smem:$0x3FB2]  }
0x2d: {  	s3 =	simm.s32 $0x108;
	s8 =	sld [smem:$0x3FB3]  }
0x2e: {  	s3 =	simm.s32 @!p0 $0x1082;
	s9 =	sld [smem:$0x3FB4]  }
0x2f: {  	lr =	sadd.s32 s0, s3;
	s0 =	sld [smem:$0x3FAB]  }
0x30: {  	s3 =	sld [smem:$0x3FAE]  }
0x31: {  	[smem:$0x3FB7] =	sst s10  }
0x32: {  	s10 =	sld [smem:$0x3FB5];
	_ =	sdelay $0x3  }
0x33: {  	p0 =	seq.s32 s10, $0x1;
	s10 =	sld [smem:$0x3FB7];
	_ =	sdelay $0x3  }
0x34: {  	[smem:$0x3FB7] =	sst s10  }
0x35: {  	s10 =	sld [smem:$0x3FB6];
	_ =	sdelay $0x3  }
0x36: {  	p1 =	seq.s32 s10, $0x1;
	s10 =	sld [smem:$0x3FB7];
	_ =	sdelay $0x3  }
0x37: {  	[smem:$0x3FB7] =	sst s10  }
0x38: {  	s10 =	sld [smem:$0x3FB8]  }
0x39: {  	_ = 	snop;
	(pc) =	sbr.ind lr, $3  }
0x3a: {  	_ = 	snop  }
0x3b: {  	_ = 	snop  }
0x3c: {  	p2 =	seq.s32 s10, $0x1;
	s10 =	sld [smem:$0x3FB7]  }
0x3d: {  	_ =	shalt  }
0x3e: {  	_ =	shalt  }
0x3f: {  	_ =	shalt  }
0x40: {  	_ =	shalt  }
0x41: {  	_ =	shalt  }
0x42: {  	_ =	shalt  }
0x43: {  	_ =	shalt  }
0x44: {  	_ =	shalt  }
0x45: {  	_ =	shalt  }
0x46: {  	_ =	shalt  }
0x47: {  	_ =	shalt  }
0x48: {  	_ =	shalt  }
0x49: {  	_ =	shalt  }
0x4a: {  	_ =	shalt  }
0x4b: {  	_ =	shalt  }
0x4c: {  	_ =	shalt  }
0x4d: {  	_ =	shalt  }
0x4e: {  	_ =	shalt  }
0x4f: {  	_ =	shalt  }
0x50: {  	_ =	shalt  }
0x51: {  	_ =	shalt  }
0x52: {  	_ =	shalt  }
0x53: {  	_ =	shalt  }
0x54: {  	_ =	shalt  }
0x55: {  	_ =	shalt  }
0x56: {  	_ =	shalt  }
0x57: {  	_ =	shalt  }
0x58: {  	_ =	shalt  }
0x59: {  	_ =	shalt  }
0x5a: {  	_ =	shalt  }
0x5b: {  	_ =	shalt  }
0x5c: {  	_ =	shalt  }
0x5d: {  	_ =	shalt  }
0x5e: {  	_ =	shalt  }
0x5f: {  	_ =	shalt  }
0x60: {  	_ =	shalt  }
0x61: {  	_ =	shalt  }
0x62: {  	_ =	shalt  }
0x63: {  	_ =	shalt  }
0x64: {  	_ =	shalt  }
0x65: {  	_ =	shalt  }
0x66: {  	_ =	shalt  }
0x67: {  	_ =	shalt  }
0x68: {  	_ =	shalt  }
0x69: {  	_ =	shalt  }
0x6a: {  	_ =	shalt  }
0x6b: {  	_ =	shalt  }
0x6c: {  	_ =	shalt  }
0x6d: {  	_ =	shalt  }
0x6e: {  	_ =	shalt  }
0x6f: {  	_ =	shalt  }
0x70: {  	_ =	shalt  }
0x71: {  	_ =	shalt  }
0x72: {  	_ =	shalt  }
0x73: {  	_ =	shalt  }
0x74: {  	_ =	shalt  }
0x75: {  	_ =	shalt  }
0x76: {  	_ =	shalt  }
0x77: {  	_ =	shalt  }
0x78: {  	_ =	shalt  }
0x79: {  	_ =	shalt  }
0x7a: {  	_ =	shalt  }
0x7b: {  	_ =	shalt  }
0x7c: {  	_ =	shalt  }
0x7d: {  	_ =	shalt  }
0x7e: {  	_ =	shalt  }
0x7f: {  	_ =	shalt  }
0x80: {  	_ =	shalt  }
0x81: {  	_ =	shalt  }
0x82: {  	_ =	shalt  }
0x83: {  	_ =	shalt  }
0x84: {  	_ =	shalt  }
0x85: {  	_ =	shalt  }
0x86: {  	_ =	shalt  }
0x87: {  	_ =	shalt  }
.Lfunc_end0:
.L_simem_size_0:
called_computation_lowered:
.L_overlay_start_0:
0x88: {  	s2 =	sld [smem:$0x3FD9]  }
0x89: {  	s3 =	sld [smem:$0x3FFE];
	_ =	sdelay $0x1  }
0x8a: {  	s1 =	srdreg.scid  }
0x8b: {  	s0 =	sand.u32 $0x1, s1  }
0x8c: {  	s14 =	sshll.u32 s0, $0xA;
	s2 =	sadd.s32 s3, s2  }
0x8d: {  	s2 =	sadd.s32 s2, s14  }
0x8e: {  	[smem:$0x3FC3] =	sst s2  }
0x8f: {  	_ = 	snop  }
0x90: {  	s2 =	sld [smem:$0x3FD0];
	_ =	sdelay $0x2  }
0x91: {  	s15 =	simm.s32 $0xA;
	s4 =	simm.s32 $0x10  }
0x92: {  	[smem:s4], [sflag:s15] =	dma.local [hbm:s2], $0x1  }
0x93: {  	_ =	swait.eq [sflag:s15], $0x1  }
0x94: {  	[sflag:s15] =	ssyncset.done $0x0  }
0x95: {  	[sflag:s15] =	ssyncadd.s32 $0xFFFFFFFF  }
0x96: {  	s16 =	sld [smem:$0x14];
	(tm) =	ssettm $0x1  }
0x97: {  	s17 =	sld [smem:$0x3FFB];
	_ =	sdelay $0x3  }
0x98: {  	_ =	strace s17  }
0x99: {  	s3 =	sld [smem:$0x3FFC];
	_ =	sdelay $0x3  }
0x9a: {  	_ =	strace s3  }
0x9b: {  	s3 =	sld [smem:$0x3FFD];
	_ =	sdelay $0x3  }
0x9c: {  	_ =	strace s3  }
0x9d: {  	_ =	strace $0x8FFFFFFF  }
0x9e: {  	s18 =	sld [smem:$0x3FDB];
	_ =	sdelay $0x1  }
0x9f: {  	s19 =	simm.s32 $_scs_section_size  }
0xa0: {  	s5 =	simm.s32 $_size__tile_overlayer_lowered;
	s6 =	simm.s32 $_tile_overlayer_lowered  }
0xa1: {  	s22 =	simm.s32 $0x1BFF;
	s21 =	sshll.u32 s6, $0x1;
	s3 =	sadd.s32 s19, s18  }
0xa2: {  	s7 =	simm.s32 $0x0;
	s20 =	sshll.u32 s5, $0x1;
	s5 =	sadd.s32 s21, s3  }
0xa3: {  	[timem:s7], [sflag:s22] =	dma.local [hbm:s5], s20  }
0xa4: {  	_ =	swait.ge [sflag:s22], s20  }
0xa5: {  	s4 =	ssub.s32 $0x0, s20;
	[sflag:s22] =	ssyncset.done $0x0  }
0xa6: {  	[sflag:s22] =	ssyncadd.s32 s4;
	_ =	sdelay $0x1  }
0xa7: {  	s23 =	simm.s32 $0x1B8B  }
0xa8: {  	_ =	swait.ge [sflag:s23], $0x1  }
0xa9: {  	[sflag:s23] =	ssyncset.done $0x0  }
0xaa: {  	s25 =	simm.s32 $0x1B8E;
	s24 =	sld [smem:$0x3FFE];
	[sflag:s23] =	ssyncadd.s32 $0xFFFFFFFF  }
0xab: {  	s26 =	simm.s32 $execute0_lowered;
	[smem:$0x3FD2] =	sst s25  }
0xac: {  	s5 =	sshll.u32 s26, $0x1;
	_ =	strace $0x80000046;
	[dreg:$0x1] =	wrdreg $0xFFFFFFFF  }
0xad: {  	s28 =	simm.s32 $_size_execute0_lowered;
	s3 =	sadd.s32 s3, s5;
	[dreg:$0x0] =	wrdreg $0x0  }
0xae: {  	s5 =	sshll.u32 s28, $0x1;
	[dreg:$0x2] =	wrdreg s3  }
0xaf: {  	[dreg:$0x3] =	wrdreg s5  }
0xb0: {  	[dreg:$0x4] =	wrdreg $0xC0  }
0xb1: {  	_ =	task [dreg:s7], $0x5FFFF  }
0xb2: {  	[dreg:$0x1] =	wrdreg $0xFFFFFFFF  }
0xb3: {  	[dreg:$0x0] =	wrdreg $0x60  }
0xb4: {  	[dreg:$0x2] =	wrdreg s24  }
0xb5: {  	[dreg:$0x3] =	wrdreg s16  }
0xb6: {  	[dreg:$0x4] =	wrdreg $0x9  }
0xb7: {  	_ =	task.clear_ibuf [dreg:s7], $0x5FFFF;
	_ =	strace $0x90000046  }
0xb8: {  	s29 =	simm.s32 $0x9;
	_ =	strace $0x80000048  }
0xb9: {  	_ =	swait.ge [sflag:s29], $0x1  }
0xba: {  	[sflag:s29] =	ssyncadd.s32 $0xFFFFFFFF  }
0xbb: {  	_ =	strace $0x90000048  }
0xbc: {  	_ =	sfence  }
0xbd: {  	s30 =	sld [smem:$0x0];
	_ =	sdelay $0x2  }
0xbe: {  	s31 =	sshll.u32 s1, $0xD;
	s1 =	sshrl.u32 s1, $0x2  }
0xbf: {  	s3 =	sand.u32 $0x4000, s31;
	s1 =	sadd.s32 s1, s30  }
0xc0: {  	s0 =	sor.u32 s3, s0;
	s1 =	sshll.u32 s1, $0x11  }
0xc1: {  	s0 =	sor.u32 s1, s0  }
0xc2: {  	s0 =	sadd.s32 $0x8F2B, s0  }
0xc3: {  	[sflag:s0] =	ssyncadd.remote.s32 $0x1  }
0xc4: {  	_ =	sfence.sel $0xFFFF  }
0xc5: {  	[dreg:$0x0] =	wrdreg $0xFFFFFFFF;
	(pc) =	sbr.abs _section_cstart, $3  }
0xc6: {  	[dreg:$0x1] =	wrdreg $0xFFFFFFFF  }
0xc7: {  	_ =	task.clear_ibuf [dreg:s7], $0x2FFFF;
	_ =	strace $0x9FFFFFFF  }
0xc8: {  	(tm) =	ssettm $0x7FFFFFFF  }
0xc9: {  	_ =	shalt  }
tec
execute0_lowered:
.L_overlay_start_1:
0x0: {  	(tag) =	ssettag $0x1  }
0x1: {  	s1 =	stileid.u32  }
0x2: {  	p0 =	sgt.u32 s1, $0x7  }
.Ltmp0:
0x3: {  	_ = 	snop;
	(pc) =	sbr.rel @p0 .LBB2_7-.Ltmp0, $4  }
0x4: {  	s3 =	rddreg [dreg:$0x0]  }
0x5: {  	s5 =	rddreg [dreg:$0x1];
	s2 =	simm.s32 $0x0  }
0x6: {  	[smem:$0x7FF] =	sst s2  }
0x7: {  	s0 =	rddreg [dreg:$0x2];
	_ =	strace $0x80000047  }
0x8: {  	s4 =	srdreg.scid  }
0x9: {  	s6 =	sshll.u32 s1, $0x1;
	s4 =	sand.u32 $0x1, s4  }
0xa: {  	s10 =	simm.s32 $0x1C00;
	s11 =	simm.s32 $0x0;
	s6 =	sor.u32 s4, s6  }
0xb: {  	s9 =	ssub.s32 $0x2, s4;
	s7 =	smul.u32 $0x280, s6;
	s8 =	sshll.u32 s6, $0xA  }
0xc: {  	s30 =	sshrl.u32 s9, $0x1;
	s6 =	sshll.u32 s6, $0x7;
	s8 =	sadd.s32 s8, s3  }
0xd: {  	s31 =	ssub.s32 s9, s30;
	s5 =	sadd.s32 s5, s6;
	s9 =	simm.s32 $0x1800  }
0xe: {  	s7 =	sadd.s32 s7, s3;
	s3 =	sadd.s32 $0x1600, s8;
	s6 =	smax.u32 s31, $0x1  }
0xf: {  	v0 =	vimm.s32 $0x0;
	v1 =	vlaneseq.u32;
	s8 =	simm.s32 $0x400;
	s4 =	sadd.s32 $0x5600, s7;
	s7 =	simm.s32 $0x1  }
.LBB2_2:
0x10: {  	s12 =	simm.s32 $0x0  }
0x11: {  	[tilespmem:s12], [sflag:$0x1] =	stream.linear.gather [hbm4b:s5+s12], $0x400, $0x38;
	[tilespmem:$0x3000] =	vst v63  }
0x12: {  	_ =	swait.ge [sflag:s7], $0x400  }
0x13: {  	[sflag:s7] =	ssyncset.done $0x0  }
0x14: {  	[sflag:s7] =	ssyncadd.s32 $0xFFFFFC00  }
0x15: {  	[tilespmem:s8], [sflag:$0x1] =	stream.linear.gather [hbm4b:s3+s12], $0x1400, $0x38;
	[tilespmem:$0x3000] =	vst v63  }
0x16: {  	_ =	swait.ge [sflag:s7], $0x1400  }
0x17: {  	[sflag:s7] =	ssyncset.done $0x0  }
0x18: {  	[sflag:s7] =	ssyncadd.s32 $0xFFFFEC00  }
0x19: {  	v2 =	vld [tilespmem:s12+$0x0];
	_ =	sdelay $0x4  }
0x1a: {  	vm0 =	vne.s32 v2, $0x0  }
0x1b: {  	v2 =	vsel vm0, $0x1, v0  }
0x1c: {  	(xrf0) =	vadd.scan.msk.s32 $0xffff, v2;
	_ =	sdelay $0x2  }
0x1d: {  	v2 =	vmov s12  }
0x1e: {  	v2 =	vadd.s32 $0xFFFFFFFF, v2  }
0x1f: {  	v2 =	vbroadcast v2, $0x0  }
0x20: {  	v3, _, _ =	vpop (xrf0)  }
0x21: {  	v2 =	vadd.s32 v3, v2;
	(v2sf) =	vpush v3, $0xF  }
0x22: {  	vm1 =	vgt.s32 v2, $0x0  }
0x23: {  	v2 =	vnsel vm1, $0x0, v2;
	_ =	sdelay $0x3  }
0x24: {  	v4 =	vor.u32 s12, v1  }
0x25: {  	s13 =	simm.s32 $0x10;
	[tilespmem:v2+s9+$0x0] =	vst.idx.msk vm0, v4  }
0x26: {  	s14 =	simm.s32 $0x20;
	s15 =	simm.s32 $0x10;
	v2 =	vld [tilespmem:s13+$0x0]  }
.LBB2_3:
0x27: {  	p0 =	seq.s32 s14, $0x3F0;
	_ =	sdelay $0x3  }
0x28: {  	vm0 =	vne.s32 v2, $0x0  }
0x29: {  	v2 =	vsel vm0, $0x1, v0  }
0x2a: {  	(xrf0) =	vadd.scan.msk.s32 $0xffff, v2;
	s16 =	spop (v2sf)  }
0x2b: {  	s12 =	sadd.s32 s12, s16  }
0x2c: {  	v2 =	vmov s12  }
0x2d: {  	v2 =	vadd.s32 $0xFFFFFFFF, v2  }
0x2e: {  	v2 =	vbroadcast v2, $0x0;
	_ =	sdelay $0x1  }
0x2f: {  	v3, _, _ =	vpop (xrf0)  }
0x30: {  	v2 =	vadd.s32 v3, v2;
	(v2sf) =	vpush v3, $0xF  }
0x31: {  	vm1 =	vgt.s32 v2, $0x0  }
0x32: {  	v2 =	vnsel vm1, $0x0, v2;
	_ =	sdelay $0x1  }
.Ltmp1:
0x33: {  	(pc) =	sbr.rel @!p0 .LBB2_3-.Ltmp1, $4  }
0x34: {  	_ = 	snop  }
0x35: {  	v3 =	vor.u32 s13, v1;
	s13 =	smov.u32 s14  }
0x36: {  	s15 =	sadd.s32 $0x10, s15;
	[tilespmem:v2+s9+$0x0] =	vst.idx.msk vm0, v3  }
0x37: {  	s14 =	sadd.s32 $0x10, s14;
	v2 =	vld [tilespmem:s15+$0x0]  }
0x38: {  	_ =	sdelay $0x3  }
0x39: {  	vm0 =	vne.s32 v2, $0x0  }
0x3a: {  	v2 =	vsel vm0, $0x1, v0  }
0x3b: {  	(xrf0) =	vadd.scan.msk.s32 $0xffff, v2;
	_ =	sdelay $0x5  }
0x3c: {  	v2, _, _ =	vpop (xrf0)  }
0x3d: {  	s14 =	spop (v2sf);
	(v2sf) =	vpush v2, $0xF  }
0x3e: {  	s12 =	sadd.s32 s12, s14  }
0x3f: {  	v3 =	vmov s12  }
0x40: {  	v3 =	vadd.s32 $0xFFFFFFFF, v3  }
0x41: {  	v3 =	vbroadcast v3, $0x0;
	_ =	sdelay $0x1  }
0x42: {  	v2 =	vadd.s32 v2, v3  }
0x43: {  	vm1 =	vgt.s32 v2, $0x0  }
0x44: {  	v2 =	vnsel vm1, $0x0, v2;
	_ =	sdelay $0x3  }
0x45: {  	v3 =	vor.u32 s13, v1  }
0x46: {  	s31 =	simm.s32 $0x1800;
	[tilespmem:v2+s9+$0x0] =	vst.idx.msk vm0, v3  }
0x47: {  	v3 =	vld [tilespmem:s31+$0x0]  }
0x48: {  	s29 =	spop (v2sf)  }
0x49: {  	s30 =	simm.s32 $0x0;
	s12 =	sadd.s32 s12, s29  }
0x4a: {  	v4 =	vor.u32 s30, v1;
	v2 =	vmov s12  }
0x4b: {  	vm15 =	vlt.s32 v4, v2  }
0x4c: {  	v3 =	vnsel vm15, $0x0, v3;
	_ =	sdelay $0x4  }
0x4d: {  	v4 =	vld.idx.msk [tilespmem:v3+s8+$0x0], $0xffff;
	_ =	sdelay $0x1  }
0x4e: {  	v5 =	vadd.s32 $0x400, v3;
	_ =	sdelay $0x2  }
0x4f: {  	s12 =	simm.s32 $0x1C00;
	v4 =	vnsel vm15, $0xBF800000, v4  }
0x50: {  	[tilespmem:s12+$0x0] =	vst v4  }
0x51: {  	v4 =	vld.idx.msk [tilespmem:v5+s8+$0x0], $0xffff;
	_ =	sdelay $0x1  }
0x52: {  	v5 =	vadd.s32 $0x800, v3;
	_ =	sdelay $0x2  }
0x53: {  	s13 =	sand.u32 $0x3F0, s30;
	v4 =	vnsel vm15, $0xBF800000, v4  }
0x54: {  	[tilespmem:s13+$0x2000] =	vst v4  }
0x55: {  	v4 =	vld.idx.msk [tilespmem:v5+s8+$0x0], $0xffff;
	_ =	sdelay $0x1  }
0x56: {  	v5 =	vadd.s32 $0xC00, v3;
	_ =	sdelay $0x2  }
0x57: {  	v4 =	vnsel vm15, $0xBF800000, v4  }
0x58: {  	[tilespmem:s13+$0x2400] =	vst v4  }
0x59: {  	v4 =	vld.idx.msk [tilespmem:v5+s8+$0x0], $0xffff;
	_ =	sdelay $0x1  }
0x5a: {  	v3 =	vadd.s32 $0x1000, v3;
	_ =	sdelay $0x2  }
0x5b: {  	v4 =	vnsel vm15, $0xBF800000, v4  }
0x5c: {  	[tilespmem:s13+$0x2800] =	vst v4  }
0x5d: {  	v3 =	vld.idx.msk [tilespmem:v3+s8+$0x0], $0xffff;
	_ =	sdelay $0x4  }
0x5e: {  	v3 =	vnsel vm15, $0x0, v3  }
0x5f: {  	s14 =	simm.s32 $0x1810;
	[tilespmem:s13+$0x2C00] =	vst v3  }
0x60: {  	s15 =	simm.s32 $0x20;
	s13 =	simm.s32 $0x10;
	v3 =	vld [tilespmem:s14+$0x0]  }
.LBB2_5:
0x61: {  	p0 =	sne.s32 s15, $0x3F0;
	_ =	sdelay $0x1  }
0x62: {  	v4 =	vor.u32 s13, v1  }
0x63: {  	vm0 =	vlt.s32 v4, v2  }
0x64: {  	v3 =	vnsel vm0, $0x0, v3  }
0x65: {  	v4 =	vadd.s32 $0x400, v3;
	v5 =	vadd.s32 $0xC00, v3;
	v6 =	vadd.s32 $0x1000, v3;
	_ =	sdelay $0x3  }
0x66: {  	v7 =	vld.idx.msk [tilespmem:v3+s8+$0x0], $0xffff;
	_ =	sdelay $0x5  }
0x67: {  	s12 =	sadd.s32 $0x10, s12;
	v7 =	vnsel vm0, $0xBF800000, v7  }
0x68: {  	[tilespmem:s12+$0x0] =	vst v7  }
0x69: {  	v4 =	vld.idx.msk [tilespmem:v4+s8+$0x0], $0xffff;
	_ =	sdelay $0x2  }
0x6a: {  	v3 =	vadd.s32 $0x800, v3;
	_ =	sdelay $0x2  }
0x6b: {  	s16 =	sand.u32 $0x3F0, s13;
	s13 =	smov.u32 s15;
	v4 =	vnsel vm0, $0xBF800000, v4  }
0x6c: {  	[tilespmem:s16+$0x2000] =	vst v4  }
0x6d: {  	v3 =	vld.idx.msk [tilespmem:v3+s8+$0x0], $0xffff;
	_ =	sdelay $0x5  }
0x6e: {  	v3 =	vnsel vm0, $0xBF800000, v3  }
0x6f: {  	[tilespmem:s16+$0x2400] =	vst v3  }
0x70: {  	v3 =	vld.idx.msk [tilespmem:v5+s8+$0x0], $0xffff;
	_ =	sdelay $0x5  }
0x71: {  	v3 =	vnsel vm0, $0xBF800000, v3  }
0x72: {  	[tilespmem:s16+$0x2800] =	vst v3  }
0x73: {  	v3 =	vld.idx.msk [tilespmem:v6+s8+$0x0], $0xffff;
	_ =	sdelay $0x3  }
.Ltmp2:
0x74: {  	(pc) =	sbr.rel @p0 .LBB2_5-.Ltmp2, $4  }
0x75: {  	_ = 	snop  }
0x76: {  	v3 =	vnsel vm0, $0x0, v3  }
0x77: {  	s14 =	sadd.s32 $0x10, s14;
	[tilespmem:s16+$0x2C00] =	vst v3  }
0x78: {  	s15 =	sadd.s32 $0x10, s15;
	v3 =	vld [tilespmem:s14+$0x0]  }
0x79: {  	_ =	sdelay $0x1  }
0x7a: {  	v4 =	vor.u32 s13, v1  }
0x7b: {  	vm0 =	vlt.s32 v4, v2  }
0x7c: {  	v2 =	vnsel vm0, $0x0, v3;
	_ =	sdelay $0x4  }
0x7d: {  	v3 =	vld.idx.msk [tilespmem:v2+s8+$0x0], $0xffff;
	_ =	sdelay $0x1  }
0x7e: {  	v61 =	vadd.s32 $0x400, v2;
	_ =	sdelay $0x2  }
0x7f: {  	s12 =	sadd.s32 $0x10, s12;
	v3 =	vnsel vm0, $0xBF800000, v3  }
0x80: {  	[tilespmem:s12+$0x0] =	vst v3  }
0x81: {  	v3 =	vld.idx.msk [tilespmem:v61+s8+$0x0], $0xffff;
	_ =	sdelay $0x1  }
0x82: {  	v62 =	vadd.s32 $0x800, v2;
	_ =	sdelay $0x2  }
0x83: {  	s31 =	sand.u32 $0x3F0, s13;
	v3 =	vnsel vm0, $0xBF800000, v3  }
0x84: {  	[tilespmem:s31+$0x2000] =	vst v3  }
0x85: {  	v3 =	vld.idx.msk [tilespmem:v62+s8+$0x0], $0xffff;
	_ =	sdelay $0x1  }
0x86: {  	v63 =	vadd.s32 $0xC00, v2;
	_ =	sdelay $0x2  }
0x87: {  	v3 =	vnsel vm0, $0xBF800000, v3  }
0x88: {  	[tilespmem:s31+$0x2400] =	vst v3  }
0x89: {  	v3 =	vld.idx.msk [tilespmem:v63+s8+$0x0], $0xffff;
	_ =	sdelay $0x1  }
0x8a: {  	v2 =	vadd.s32 $0x1000, v2;
	_ =	sdelay $0x2  }
0x8b: {  	v3 =	vnsel vm0, $0xBF800000, v3  }
0x8c: {  	[tilespmem:s31+$0x2800] =	vst v3  }
0x8d: {  	v2 =	vld.idx.msk [tilespmem:v2+s8+$0x0], $0xffff;
	_ =	sdelay $0x3  }
0x8e: {  	s11 =	sadd.s32 $0x1, s11  }
0x8f: {  	p0 =	sne.s32 s11, s6;
	v2 =	vnsel vm0, $0x0, v2  }
.Ltmp3:
0x90: {  	[tilespmem:s31+$0x2C00] =	vst v2;
	(pc) =	sbr.rel @p0 .LBB2_2-.Ltmp3, $4  }
0x91: {  	[hbm4b:s4+s2] =	stream.linear.scatter [tilespmem:s10], [sflag:$0x1], $0x1400, $0x38;
	[tilespmem:$0x3000] =	vst v63  }
0x92: {  	_ =	swait.ge [sflag:s7], $0x1400  }
0x93: {  	[sflag:s7] =	ssyncset.done $0x0  }
0x94: {  	[sflag:s7] =	ssyncadd.s32 $0xFFFFEC00  }
.LBB2_7:
0x95: {  	_ =	sfence.sel $0x180000  }
0x96: {  	[bflag:$0x0] =	sbarrier.arrive $0xFFFF  }
0x97: {  	p0 =	sne.s32 s1, $0x0;
	_ =	strace $0x90000047  }
0x98: {  	s0 =	sadd.s32 @!p0 $0x100000, s0;
	[bflag:$0x2] =	sbarrier.arrive $0xFFFF  }
0x99: {  	[sflag:s0] =	ssyncadd.tile.s32 @!p0 $0x1;
	_ =	shalt  }
.Lfunc_end2:
_tile_overlayer_lowered:
.L_overlay_start_2:
0x9a: {  	(tag) =	ssettag $0x2  }
0x9b: {  	s0 =	rddreg [dreg:$0x0];
	s2 =	stileid.u32  }
0x9c: {  	s1 =	rddreg [dreg:$0x1];
	p0 =	sne.s32 s2, $0x0  }
0x9d: {  	s3 =	rddreg [dreg:$0x2];
	[bflag:$0x3] =	sbarrier.arrive $0xFFFF;
	s2 =	simm.s32 @!p0 $0x1C01  }
0x9e: {  	[timem:s3], [sflag:s2] =	dma.local @!p0 [hbm:s0], s1  }
0x9f: {  	s0 =	simm.s32 @!p0 $0x1  }
0xa0: {  	_ =	swait.ge @!p0 [sflag:s0], s1  }
0xa1: {  	s1 =	ssub.s32 @!p0 $0x0, s1;
	[sflag:s0] =	ssyncset.done @!p0 $0x0  }
0xa2: {  	[sflag:s0] =	ssyncadd.s32 @!p0 s1  }
0xa3: {  	[bflag:$0x3] =	sbarrier.arrive $0xFFFF  }
0xa4: {  	_ =	shalt  }

</sc_bundles>
